<compile_context>
chip_gen: v7x
topology: tpu7x:2x2x1
jax: 0.10.2.dev20260603
libtpu: 0.0.44.dev20260713+nightly
codegen_flags: <defaults>
</compile_context>

<pallas_src>
import jax
import jax.numpy as jnp
from jax import lax
from jax.experimental import pallas as pl
from jax.experimental.pallas import tpu as pltpu
from jax.experimental.pallas import tpu_sc as plsc

N_PART = 10000
NPAD = 10240
EMB = 64
HEADS = 4
HD = EMB // HEADS
NCOLL = 640000
LANES = 16
NWORK = 32
CHUNK = 5000
NCHUNKS = NCOLL // CHUNK
CNT_CHUNKS = NCHUNKS // NWORK


def _sc_scatter_body(t_hbm, m_hbm, x_hbm, p1_hbm, p2_hbm, wr_hbm,
                     updt_hbm, cntp_hbm,
                     t_a, m_a, x_a, p1_a, p2_a,
                     t_c, m_c, x_c, p1_c, p2_c,
                     wrow_v, acc0, acc1, cnt, sem_a, sem_b):
    wid = lax.axis_index("s") * 2 + lax.axis_index("c")
    pltpu.sync_copy(wr_hbm.at[wid], wrow_v)

    def bc(j):
        return plsc.load_gather(wrow_v, [jnp.full((LANES,), j + 1, jnp.int32)])

    w0a, w1a, w2a, ba = bc(0), bc(1), bc(2), bc(3)
    w0b, w1b, w2b, bb = bc(4), bc(5), bc(6), bc(7)

    zeros16 = jnp.zeros((LANES,), jnp.float32)
    ones16 = jnp.ones((LANES,), jnp.float32)

    @plsc.parallel_loop(0, NPAD // LANES)
    def _(i):
        acc0[pl.ds(i * LANES, LANES)] = zeros16
        acc1[pl.ds(i * LANES, LANES)] = zeros16
        cnt[pl.ds(i * LANES, LANES)] = zeros16

    bufs_a = (t_a, m_a, x_a, p1_a, p2_a)
    bufs_b = (t_c, m_c, x_c, p1_c, p2_c)
    srcs = (t_hbm, m_hbm, x_hbm, p1_hbm, p2_hbm)

    def chunk_start(c, bufs, sem):
        base = c * CHUNK
        for src, buf in zip(srcs, bufs):
            pltpu.async_copy(src.at[pl.ds(base, CHUNK)], buf, sem)

    def chunk_wait(c, bufs, sem):
        base = c * CHUNK
        for src, buf in zip(srcs, bufs):
            pltpu.make_async_copy(src.at[pl.ds(base, CHUNK)], buf, sem).wait()

    def process(c, bufs):
        t_b, m_b, x_b, p1_b, p2_b = bufs

        @plsc.parallel_loop(0, CHUNK // LANES, unroll=4)
        def _(i):
            off = i * LANES
            tv = t_b[pl.ds(off, LANES)]
            mv = m_b[pl.ds(off, LANES)]
            xv = x_b[pl.ds(off, LANES)]
            i1 = p1_b[pl.ds(off, LANES)]
            i2 = p2_b[pl.ds(off, LANES)]
            za = tv * w0a + mv * w1a + xv * w2a + ba
            ea = 1.0 - 2.0 / (jnp.exp(za + za) + 1.0)
            zb = tv * w0b + mv * w1b + xv * w2b + bb
            eb = 1.0 - 2.0 / (jnp.exp(zb + zb) + 1.0)
            plsc.addupdate_scatter(acc0, [i1], ea)
            plsc.addupdate_scatter(acc0, [i2], ea)
            plsc.addupdate_scatter(acc1, [i1], eb)
            plsc.addupdate_scatter(acc1, [i2], eb)

        @pl.when(c // CNT_CHUNKS == wid)
        def _():
            @plsc.parallel_loop(0, CHUNK // LANES, unroll=4)
            def _(i):
                off = i * LANES
                i1 = p1_b[pl.ds(off, LANES)]
                i2 = p2_b[pl.ds(off, LANES)]
                plsc.addupdate_scatter(cnt, [i1], ones16)
                plsc.addupdate_scatter(cnt, [i2], ones16)

    chunk_start(0, bufs_a, sem_a)

    def pair_body(c2, carry):
        c = c2 * 2
        chunk_start(c + 1, bufs_b, sem_b)
        chunk_wait(c, bufs_a, sem_a)
        process(c, bufs_a)

        @pl.when(c + 2 < NCHUNKS)
        def _():
            chunk_start(c + 2, bufs_a, sem_a)
        chunk_wait(c + 1, bufs_b, sem_b)
        process(c + 1, bufs_b)
        return carry
    lax.fori_loop(0, NCHUNKS // 2, pair_body, None)

    pltpu.sync_copy(acc0, updt_hbm.at[2 * wid])
    pltpu.sync_copy(acc1, updt_hbm.at[2 * wid + 1])
    pltpu.sync_copy(cnt, cntp_hbm.at[wid])


_sc_scatter = pl.kernel(
    _sc_scatter_body,
    out_type=[jax.ShapeDtypeStruct((EMB, NPAD), jnp.float32),
              jax.ShapeDtypeStruct((NWORK, NPAD), jnp.float32)],
    mesh=plsc.VectorSubcoreMesh(core_axis_name="c", subcore_axis_name="s"),
    compiler_params=pltpu.CompilerParams(needs_layout_passes=False),
    scratch_types=[
        pltpu.VMEM((CHUNK,), jnp.float32),
        pltpu.VMEM((CHUNK,), jnp.float32),
        pltpu.VMEM((CHUNK,), jnp.float32),
        pltpu.VMEM((CHUNK,), jnp.int32),
        pltpu.VMEM((CHUNK,), jnp.int32),
        pltpu.VMEM((CHUNK,), jnp.float32),
        pltpu.VMEM((CHUNK,), jnp.float32),
        pltpu.VMEM((CHUNK,), jnp.float32),
        pltpu.VMEM((CHUNK,), jnp.int32),
        pltpu.VMEM((CHUNK,), jnp.int32),
        pltpu.VMEM((LANES,), jnp.float32),
        pltpu.VMEM((NPAD,), jnp.float32),
        pltpu.VMEM((NPAD,), jnp.float32),
        pltpu.VMEM((NPAD,), jnp.float32),
        pltpu.SemaphoreType.DMA,
        pltpu.SemaphoreType.DMA,
    ],
)


T1 = 1024


def _tc1_body(updt, cntp, emb, wq, wk, wv, bqkv, kbias, q_o, kt_o, v_o):
    cs = jnp.maximum(jnp.sum(cntp[...], axis=0, keepdims=True), 1.0)
    updn = updt[...] / cs
    feat = emb[...] + updn.T
    q = jnp.dot(feat, wq[...], preferred_element_type=jnp.float32,
                precision=lax.Precision.HIGHEST) + bqkv[0:1, :]
    k = jnp.dot(feat, wk[...], preferred_element_type=jnp.float32,
                precision=lax.Precision.HIGHEST) + bqkv[1:2, :]
    v = jnp.dot(feat, wv[...], preferred_element_type=jnp.float32,
                precision=lax.Precision.HIGHEST) + bqkv[2:3, :]
    q_o[...] = q
    kt_o[0:EMB, :] = k.T
    kt_o[EMB:, :] = jnp.broadcast_to(kbias[...], (8, k.shape[0]))
    v_o[...] = v


_tc1 = pl.pallas_call(
    _tc1_body,
    grid=(NPAD // T1,),
    in_specs=[
        pl.BlockSpec((EMB, T1), lambda i: (0, i)),
        pl.BlockSpec((NWORK, T1), lambda i: (0, i)),
        pl.BlockSpec((T1, EMB), lambda i: (i, 0)),
        pl.BlockSpec((EMB, EMB), lambda i: (0, 0)),
        pl.BlockSpec((EMB, EMB), lambda i: (0, 0)),
        pl.BlockSpec((EMB, EMB), lambda i: (0, 0)),
        pl.BlockSpec((3, EMB), lambda i: (0, 0)),
        pl.BlockSpec((1, T1), lambda i: (0, i)),
    ],
    out_specs=[
        pl.BlockSpec((T1, EMB), lambda i: (i, 0)),
        pl.BlockSpec((EMB + 8, T1), lambda i: (0, i)),
        pl.BlockSpec((T1, EMB), lambda i: (i, 0)),
    ],
    out_shape=[
        jax.ShapeDtypeStruct((NPAD, EMB), jnp.float32),
        jax.ShapeDtypeStruct((EMB + 8, NPAD), jnp.float32),
        jax.ShapeDtypeStruct((NPAD, EMB), jnp.float32),
    ],
)


TQ = 1024
TK = 2048
NKB = NPAD // TK


def _tc2_body(q_blk, kt, v, kn, wo, bo, w1, b1, w2, b2, out,
              acc_ref, l_ref):
    kb = pl.program_id(1)

    @pl.when(kb == 0)
    def _():
        acc_ref[...] = jnp.zeros_like(acc_ref)
        l_ref[...] = jnp.zeros_like(l_ref)

    q = q_blk[...]
    kta = kt[...]
    ones_col = jnp.ones((q.shape[0], 1), jnp.float32)
    for h in range(HEADS):
        qh = q[:, h * HD:(h + 1) * HD] * (1.0 / (HD ** 0.5))
        bnd = jnp.sqrt(jnp.sum(qh * qh, axis=1, keepdims=True)) * kn[0, h]
        qa = jnp.concatenate([qh, ones_col, -bnd], axis=1)
        kth = jnp.concatenate(
            [kta[h * HD:(h + 1) * HD, :], kta[EMB:EMB + 1, :],
             jnp.ones_like(kta[EMB:EMB + 1, :])], axis=0)
        p = jnp.exp(jnp.dot(qa, kth, preferred_element_type=jnp.float32))
        l_ref[:, h:h + 1] = l_ref[:, h:h + 1] + jnp.sum(
            p, axis=1, keepdims=True)
        acc_ref[:, h * HD:(h + 1) * HD] = (
            acc_ref[:, h * HD:(h + 1) * HD]
            + jnp.dot(p, v[:, h * HD:(h + 1) * HD],
                      preferred_element_type=jnp.float32))

    @pl.when(kb == NKB - 1)
    def _():
        acc = acc_ref[...]
        o = jnp.concatenate(
            [acc[:, h * HD:(h + 1) * HD]
             / jnp.maximum(l_ref[:, h:h + 1], 1e-35)
             for h in range(HEADS)], axis=1)
        o = jnp.dot(o, wo[...], preferred_element_type=jnp.float32,
                    precision=lax.Precision.HIGHEST) + bo[...]
        hcat = jnp.maximum(
            jnp.dot(o, w1[...], preferred_element_type=jnp.float32,
                    precision=lax.Precision.HIGHEST) + b1[...], 0.0)
        z = jnp.dot(hcat, w2[...], preferred_element_type=jnp.float32,
                    precision=lax.Precision.HIGHEST) + b2[...]
        out[...] = jnp.maximum(z, 0.0) + jnp.log(1.0 + jnp.exp(-jnp.abs(z)))


_tc2 = pl.pallas_call(
    _tc2_body,
    grid=(NPAD // TQ, NKB),
    in_specs=[
        pl.BlockSpec((TQ, EMB), lambda i, k: (i, 0)),
        pl.BlockSpec((EMB + 8, TK), lambda i, k: (0, k)),
        pl.BlockSpec((TK, EMB), lambda i, k: (k, 0)),
        pl.BlockSpec((1, HEADS), lambda i, k: (0, 0)),
        pl.BlockSpec((EMB, EMB), lambda i, k: (0, 0)),
        pl.BlockSpec((1, EMB), lambda i, k: (0, 0)),
        pl.BlockSpec((EMB, EMB), lambda i, k: (0, 0)),
        pl.BlockSpec((1, EMB), lambda i, k: (0, 0)),
        pl.BlockSpec((EMB, 2), lambda i, k: (0, 0)),
        pl.BlockSpec((1, 2), lambda i, k: (0, 0)),
    ],
    out_specs=[pl.BlockSpec((TQ, 2), lambda i, k: (i, 0))],
    out_shape=[jax.ShapeDtypeStruct((NPAD, 2), jnp.float32)],
    scratch_shapes=[
        pltpu.VMEM((TQ, EMB), jnp.float32),
        pltpu.VMEM((TQ, HEADS), jnp.float32),
    ],
    compiler_params=pltpu.CompilerParams(
        dimension_semantics=("parallel", "arbitrary")),
)


def kernel(times, momentum_transfers, positions, particle_pairs, W_ev, b_ev,
           particle_embeddings, in_proj_w, in_proj_b, out_proj_w, out_proj_b,
           W_m1, b_m1, W_m2, b_m2, W_d1, b_d1, W_d2, b_d2):
    p1 = particle_pairs[:, 0]
    p2 = particle_pairs[:, 1]
    wr = jnp.concatenate([W_ev, b_ev[:, None]], axis=1).reshape(NWORK, 8)
    wr = jnp.pad(wr, ((0, 0), (1, 7)))

    updt, cntp = _sc_scatter(times, momentum_transfers, positions, p1, p2, wr)

    wq_t = in_proj_w[0:EMB].T
    wk_t = in_proj_w[EMB:2 * EMB].T
    wv_t = in_proj_w[2 * EMB:].T
    bqkv = in_proj_b.reshape(3, EMB)
    emb_pad = jnp.pad(particle_embeddings, ((0, NPAD - N_PART), (0, 0)))
    kbias = jnp.where(jnp.arange(NPAD) < N_PART, 0.0, -1e30)[None, :]
    q, kt, v = _tc1(updt, cntp, emb_pad, wq_t, wk_t, wv_t, bqkv, kbias)

    half = EMB // 2
    w1 = jnp.concatenate([W_m1.T, W_d1.T], axis=1)
    b1 = jnp.concatenate([b_m1, b_d1])[None, :]
    w2 = jnp.zeros((EMB, 2), jnp.float32)
    w2 = w2.at[0:half, 0].set(W_m2[0])
    w2 = w2.at[half:, 1].set(W_d2[0])
    b2 = jnp.stack([b_m2[0], b_d2[0]])[None, :]

    kn2 = jnp.sum(kt[:EMB].reshape(HEADS, HD, NPAD) ** 2, axis=1)
    kn = jnp.sqrt(jnp.max(kn2, axis=1))[None, :]
    (md,) = _tc2(q, kt, v, kn, out_proj_w.T, out_proj_b[None, :],
                 w1, b1, w2, b2)
    return (md[:N_PART, 0], md[:N_PART, 1])

# --- scband reference (transcript-rebuilt; emitter-appended) ---
"""Pipeline reference for scband-collision-graph-encoder-32762010533926 (READ-ONLY COPY).

The authoritative reference and input builder live on the scoring server;
editing this copy changes nothing except your own understanding.
"""

import jax, jax.numpy as jnp
import numpy as np

N_PARTICLES = 10000
EMB = 64
HEADS = 4
HEAD_DIM = EMB // HEADS
NC = 640000


def setup_inputs(seed: int = 0):
    key = jax.random.key(seed)
    ks = jax.random.split(key, 14)
    inp = {}
    inp["times"] = jax.random.uniform(ks[0], (NC,), dtype=jnp.float32)
    inp["momentum_transfers"] = jax.random.normal(ks[1], (NC,), dtype=jnp.float32)
    inp["positions"] = jax.random.normal(ks[2], (NC,), dtype=jnp.float32)
    inp["particle_pairs"] = jax.random.randint(ks[3], (NC, 2), 0, N_PARTICLES, dtype=jnp.int32)
    inp["W_ev"] = jax.random.normal(ks[4], (EMB, 3), dtype=jnp.float32) * (1.0 / np.sqrt(3.0))
    inp["b_ev"] = jnp.zeros((EMB,), dtype=jnp.float32)
    inp["particle_embeddings"] = jax.random.normal(ks[5], (N_PARTICLES, EMB), dtype=jnp.float32) / np.sqrt(EMB)
    inp["in_proj_w"] = jax.random.normal(ks[6], (3 * EMB, EMB), dtype=jnp.float32) * (1.0 / np.sqrt(EMB))
    inp["in_proj_b"] = jnp.zeros((3 * EMB,), dtype=jnp.float32)
    inp["out_proj_w"] = jax.random.normal(ks[7], (EMB, EMB), dtype=jnp.float32) * (1.0 / np.sqrt(EMB))
    inp["out_proj_b"] = jnp.zeros((EMB,), dtype=jnp.float32)
    inp["W_m1"] = jax.random.normal(ks[8], (EMB // 2, EMB), dtype=jnp.float32) * (1.0 / np.sqrt(EMB))
    inp["b_m1"] = jnp.zeros((EMB // 2,), dtype=jnp.float32)
    inp["W_m2"] = jax.random.normal(ks[9], (1, EMB // 2), dtype=jnp.float32) * (1.0 / np.sqrt(EMB // 2))
    inp["b_m2"] = jnp.zeros((1,), dtype=jnp.float32)
    inp["W_d1"] = jax.random.normal(ks[10], (EMB // 2, EMB), dtype=jnp.float32) * (1.0 / np.sqrt(EMB))
    inp["b_d1"] = jnp.zeros((EMB // 2,), dtype=jnp.float32)
    inp["W_d2"] = jax.random.normal(ks[11], (1, EMB // 2), dtype=jnp.float32) * (1.0 / np.sqrt(EMB // 2))
    inp["b_d2"] = jnp.zeros((1,), dtype=jnp.float32)
    return inp


def reference(times, momentum_transfers, positions, particle_pairs, W_ev, b_ev,
              particle_embeddings, in_proj_w, in_proj_b, out_proj_w, out_proj_b,
              W_m1, b_m1, W_m2, b_m2, W_d1, b_d1, W_d2, b_d2):
    # encode_collisions: Linear(3, EMB) + Tanh
    features = jnp.stack([times, momentum_transfers, positions], axis=-1)
    emb = jnp.tanh(features @ W_ev.T + b_ev)
    # scatter-add collision embeddings onto both participating particles
    p1 = particle_pairs[:, 0]
    p2 = particle_pairs[:, 1]
    particle_updates = jnp.zeros((N_PARTICLES, EMB), dtype=jnp.float32)
    particle_updates = particle_updates.at[p1].add(emb).at[p2].add(emb)
    ones = jnp.ones((NC,), dtype=jnp.float32)
    counts = jnp.zeros((N_PARTICLES,), dtype=jnp.float32).at[p1].add(ones).at[p2].add(ones)
    counts = jnp.clip(counts, 1.0, None)
    particle_updates = particle_updates / counts[:, None]
    feat = particle_embeddings + particle_updates
    # MultiheadAttention (batch=1, batch_first), self-attention
    Wq, Wk, Wv = jnp.split(in_proj_w, 3, axis=0)
    bq, bk, bv = jnp.split(in_proj_b, 3, axis=0)
    q = (feat @ Wq.T + bq).reshape(N_PARTICLES, HEADS, HEAD_DIM).transpose(1, 0, 2)
    k = (feat @ Wk.T + bk).reshape(N_PARTICLES, HEADS, HEAD_DIM).transpose(1, 0, 2)
    v = (feat @ Wv.T + bv).reshape(N_PARTICLES, HEADS, HEAD_DIM).transpose(1, 0, 2)
    scores = jnp.einsum('hnd,hmd->hnm', q, k) / np.sqrt(HEAD_DIM)
    attn = jax.nn.softmax(scores, axis=-1)
    o = jnp.einsum('hnm,hmd->hnd', attn, v).transpose(1, 0, 2).reshape(N_PARTICLES, EMB)
    o = o @ out_proj_w.T + out_proj_b
    # heads: Linear -> ReLU -> Linear -> Softplus
    h_m = jax.nn.relu(o @ W_m1.T + b_m1)
    masses = jax.nn.softplus(h_m @ W_m2.T + b_m2)[:, 0]
    h_d = jax.nn.relu(o @ W_d1.T + b_d1)
    diameters = jax.nn.softplus(h_d @ W_d2.T + b_d2)[:, 0]
    return (masses, diameters)

if __name__ == "__main__":
    import jax
    _d = setup_inputs()
    print(jax.jit(kernel)(*tuple(_d.values())))

</pallas_src>

<mosaic_0001>
#map = affine_map<(d0, d1) -> (0)>
#map1 = affine_map<(d0, d1) -> (0, 0)>
module attributes {stable_mosaic.version = 14 : i64} {
  func.func @_sc_scatter_body(%arg0: i32, %arg1: i32, %arg2: memref<640000xf32, #tpu.memory_space<hbm>>, %arg3: memref<640000xf32, #tpu.memory_space<hbm>>, %arg4: memref<640000xf32, #tpu.memory_space<hbm>>, %arg5: memref<640000xi32, #tpu.memory_space<hbm>>, %arg6: memref<640000xi32, #tpu.memory_space<hbm>>, %arg7: memref<32x16xf32, #tpu.memory_space<hbm>>, %arg8: memref<64x10240xf32, #tpu.memory_space<hbm>>, %arg9: memref<32x10240xf32, #tpu.memory_space<hbm>>, %arg10: memref<5000xf32, #tpu.memory_space<vmem>>, %arg11: memref<5000xf32, #tpu.memory_space<vmem>>, %arg12: memref<5000xf32, #tpu.memory_space<vmem>>, %arg13: memref<5000xi32, #tpu.memory_space<vmem>>, %arg14: memref<5000xi32, #tpu.memory_space<vmem>>, %arg15: memref<5000xf32, #tpu.memory_space<vmem>>, %arg16: memref<5000xf32, #tpu.memory_space<vmem>>, %arg17: memref<5000xf32, #tpu.memory_space<vmem>>, %arg18: memref<5000xi32, #tpu.memory_space<vmem>>, %arg19: memref<5000xi32, #tpu.memory_space<vmem>>, %arg20: memref<16xf32, #tpu.memory_space<vmem>>, %arg21: memref<10240xf32, #tpu.memory_space<vmem>>, %arg22: memref<10240xf32, #tpu.memory_space<vmem>>, %arg23: memref<10240xf32, #tpu.memory_space<vmem>>, %arg24: memref<!tpu.dma_semaphore, #tpu.memory_space<semaphore_mem>>, %arg25: memref<!tpu.dma_semaphore, #tpu.memory_space<semaphore_mem>>) attributes {dimension_semantics = [#tpu.dimension_semantics<core_parallel>, #tpu.dimension_semantics<subcore_parallel>], iteration_bounds = array<i64: 2, 16>, scalar_prefetch = 0 : i64, scratch_operands = 16 : i64, tpu.core_type = #tpu.core_type<sc_vector_subcore>, window_params = [{transform_indices = #map}, {transform_indices = #map}, {transform_indices = #map}, {transform_indices = #map}, {transform_indices = #map}, {transform_indices = #map1}, {transform_indices = #map1}, {transform_indices = #map1}]} {
    %mul3A = arith.constant 2 : i32
    %mul3A_0 = arith.muli %arg1, %mul3A : i32
    %add3A = arith.addi %mul3A_0, %arg0 : i32
    "tpu.region"() ({
      %run_scoped3A = tpu.sem_alloc : memref<!tpu.dma_semaphore, #tpu.memory_space<semaphore_mem>>
      %dma_start3A_58 = arith.constant 0 : i32
      %dma_start3A_59 = tpu.memref_slice %arg7[%add3A, %dma_start3A_58] : memref<32x16xf32, #tpu.memory_space<hbm>> -> memref<1x16xf32, #tpu.memory_space<hbm>>
      %dma_start3A_60 = tpu.memref_squeeze %dma_start3A_59 : memref<1x16xf32, #tpu.memory_space<hbm>> -> memref<16xf32, #tpu.memory_space<hbm>>
      %dma_start3A_61 = arith.constant 0 : i32
      %dma_start3A_62 = tpu.memref_slice %arg7[%add3A, %dma_start3A_61] : memref<32x16xf32, #tpu.memory_space<hbm>> -> memref<1x16xf32, #tpu.memory_space<hbm>>
      %dma_start3A_63 = tpu.memref_squeeze %dma_start3A_62 : memref<1x16xf32, #tpu.memory_space<hbm>> -> memref<16xf32, #tpu.memory_space<hbm>>
      tpu.enqueue_dma source(%dma_start3A_63 : memref<16xf32, #tpu.memory_space<hbm>>) target(%arg20 : memref<16xf32, #tpu.memory_space<vmem>>) target_semaphore(%run_scoped3A : memref<!tpu.dma_semaphore, #tpu.memory_space<semaphore_mem>>)
      %dma_wait3A = arith.constant 0 : i32
      %dma_wait3A_64 = tpu.memref_slice %arg7[%add3A, %dma_wait3A] : memref<32x16xf32, #tpu.memory_space<hbm>> -> memref<1x16xf32, #tpu.memory_space<hbm>>
      %dma_wait3A_65 = tpu.memref_squeeze %dma_wait3A_64 : memref<1x16xf32, #tpu.memory_space<hbm>> -> memref<16xf32, #tpu.memory_space<hbm>>
      %dma_wait3A_66 = arith.constant 0 : i32
      %dma_wait3A_67 = tpu.memref_slice %arg7[%add3A, %dma_wait3A_66] : memref<32x16xf32, #tpu.memory_space<hbm>> -> memref<1x16xf32, #tpu.memory_space<hbm>>
      %dma_wait3A_68 = tpu.memref_squeeze %dma_wait3A_67 : memref<1x16xf32, #tpu.memory_space<hbm>> -> memref<16xf32, #tpu.memory_space<hbm>>
      tpu.wait_dma2 semaphore(%run_scoped3A : memref<!tpu.dma_semaphore, #tpu.memory_space<semaphore_mem>>) src(%dma_wait3A_68 : memref<16xf32, #tpu.memory_space<hbm>>) dst(%arg20 : memref<16xf32, #tpu.memory_space<vmem>>)
      tpu.yield
    }) : () -> ()
    %broadcast_in_dim3A = arith.constant 1 : i32
    %broadcast_in_dim3A_1 = vector.broadcast %broadcast_in_dim3A : i32 to vector<16xi32>
    %gather3A = tpu.vector_load_idx %arg20[%broadcast_in_dim3A_1] : memref<16xf32, #tpu.memory_space<vmem>>[vector<16xi32>], vector<16xf32>,
    %broadcast_in_dim3A_2 = arith.constant 2 : i32
    %broadcast_in_dim3A_3 = vector.broadcast %broadcast_in_dim3A_2 : i32 to vector<16xi32>
    %gather3A_4 = tpu.vector_load_idx %arg20[%broadcast_in_dim3A_3] : memref<16xf32, #tpu.memory_space<vmem>>[vector<16xi32>], vector<16xf32>,
    %broadcast_in_dim3A_5 = arith.constant 3 : i32
    %broadcast_in_dim3A_6 = vector.broadcast %broadcast_in_dim3A_5 : i32 to vector<16xi32>
    %gather3A_7 = tpu.vector_load_idx %arg20[%broadcast_in_dim3A_6] : memref<16xf32, #tpu.memory_space<vmem>>[vector<16xi32>], vector<16xf32>,
    %broadcast_in_dim3A_8 = arith.constant 4 : i32
    %broadcast_in_dim3A_9 = vector.broadcast %broadcast_in_dim3A_8 : i32 to vector<16xi32>
    %gather3A_10 = tpu.vector_load_idx %arg20[%broadcast_in_dim3A_9] : memref<16xf32, #tpu.memory_space<vmem>>[vector<16xi32>], vector<16xf32>,
    %broadcast_in_dim3A_11 = arith.constant 5 : i32
    %broadcast_in_dim3A_12 = vector.broadcast %broadcast_in_dim3A_11 : i32 to vector<16xi32>
    %gather3A_13 = tpu.vector_load_idx %arg20[%broadcast_in_dim3A_12] : memref<16xf32, #tpu.memory_space<vmem>>[vector<16xi32>], vector<16xf32>,
    %broadcast_in_dim3A_14 = arith.constant 6 : i32
    %broadcast_in_dim3A_15 = vector.broadcast %broadcast_in_dim3A_14 : i32 to vector<16xi32>
    %gather3A_16 = tpu.vector_load_idx %arg20[%broadcast_in_dim3A_15] : memref<16xf32, #tpu.memory_space<vmem>>[vector<16xi32>], vector<16xf32>,
    %broadcast_in_dim3A_17 = arith.constant 7 : i32
    %broadcast_in_dim3A_18 = vector.broadcast %broadcast_in_dim3A_17 : i32 to vector<16xi32>
    %gather3A_19 = tpu.vector_load_idx %arg20[%broadcast_in_dim3A_18] : memref<16xf32, #tpu.memory_space<vmem>>[vector<16xi32>], vector<16xf32>,
    %broadcast_in_dim3A_20 = arith.constant 8 : i32
    %broadcast_in_dim3A_21 = vector.broadcast %broadcast_in_dim3A_20 : i32 to vector<16xi32>
    %gather3A_22 = tpu.vector_load_idx %arg20[%broadcast_in_dim3A_21] : memref<16xf32, #tpu.memory_space<vmem>>[vector<16xi32>], vector<16xf32>,
    %broadcast_in_dim3A_23 = arith.constant 0.000000e+00 : f32
    %broadcast_in_dim3A_24 = vector.broadcast %broadcast_in_dim3A_23 : f32 to vector<16xf32>
    %broadcast_in_dim3A_25 = arith.constant 1.000000e+00 : f32
    %broadcast_in_dim3A_26 = vector.broadcast %broadcast_in_dim3A_25 : f32 to vector<16xf32>
    %parallel_loop3A = arith.constant 0 : i32
    %parallel_loop3A_27 = arith.constant 640 : i32
    %parallel_loop3A_28 = arith.constant 1 : i32
    scf.for %parallel_loop3A_58 = %parallel_loop3A to %parallel_loop3A_27 step %parallel_loop3A_28  : i32 {
      %parallel_loop3A_59 = arith.constant 16 : i32
      %parallel_loop3A_60 = arith.muli %parallel_loop3A_58, %parallel_loop3A_59 : i32
      %parallel_loop3A_61 = arith.index_cast %parallel_loop3A_60 : i32 to index
      %parallel_loop3A_62 = tpu.vector_load %arg21[%parallel_loop3A_61] {strides = array<i32>} : memref<10240xf32, #tpu.memory_space<vmem>>, vector<16xf32>,
      tpu.vector_store %arg21[%parallel_loop3A_61], %broadcast_in_dim3A_24 {strides = array<i32>} : memref<10240xf32, #tpu.memory_space<vmem>>, vector<16xf32>,
      %parallel_loop3A_63 = arith.constant 16 : i32
      %parallel_loop3A_64 = arith.muli %parallel_loop3A_58, %parallel_loop3A_63 : i32
      %parallel_loop3A_65 = arith.index_cast %parallel_loop3A_64 : i32 to index
      %parallel_loop3A_66 = tpu.vector_load %arg22[%parallel_loop3A_65] {strides = array<i32>} : memref<10240xf32, #tpu.memory_space<vmem>>, vector<16xf32>,
      tpu.vector_store %arg22[%parallel_loop3A_65], %broadcast_in_dim3A_24 {strides = array<i32>} : memref<10240xf32, #tpu.memory_space<vmem>>, vector<16xf32>,
      %parallel_loop3A_67 = arith.constant 16 : i32
      %parallel_loop3A_68 = arith.muli %parallel_loop3A_58, %parallel_loop3A_67 : i32
      %parallel_loop3A_69 = arith.index_cast %parallel_loop3A_68 : i32 to index
      %parallel_loop3A_70 = tpu.vector_load %arg23[%parallel_loop3A_69] {strides = array<i32>} : memref<10240xf32, #tpu.memory_space<vmem>>, vector<16xf32>,
      tpu.vector_store %arg23[%parallel_loop3A_69], %broadcast_in_dim3A_24 {strides = array<i32>} : memref<10240xf32, #tpu.memory_space<vmem>>, vector<16xf32>,
    } {sc.loop_unroll_factor = 1 : i64, sc.parallel_access}
    %dma_start3A = arith.constant 0 : i32
    %dma_start3A_29 = tpu.memref_slice %arg2[%dma_start3A] : memref<640000xf32, #tpu.memory_space<hbm>> -> memref<5000xf32, #tpu.memory_space<hbm>>
    %dma_start3A_30 = arith.constant 0 : i32
    %dma_start3A_31 = tpu.memref_slice %arg2[%dma_start3A_30] : memref<640000xf32, #tpu.memory_space<hbm>> -> memref<5000xf32, #tpu.memory_space<hbm>>
    tpu.enqueue_dma source(%dma_start3A_31 : memref<5000xf32, #tpu.memory_space<hbm>>) target(%arg10 : memref<5000xf32, #tpu.memory_space<vmem>>) target_semaphore(%arg24 : memref<!tpu.dma_semaphore, #tpu.memory_space<semaphore_mem>>)
    %dma_start3A_32 = arith.constant 0 : i32
    %dma_start3A_33 = tpu.memref_slice %arg3[%dma_start3A_32] : memref<640000xf32, #tpu.memory_space<hbm>> -> memref<5000xf32, #tpu.memory_space<hbm>>
    %dma_start3A_34 = arith.constant 0 : i32
    %dma_start3A_35 = tpu.memref_slice %arg3[%dma_start3A_34] : memref<640000xf32, #tpu.memory_space<hbm>> -> memref<5000xf32, #tpu.memory_space<hbm>>
    tpu.enqueue_dma source(%dma_start3A_35 : memref<5000xf32, #tpu.memory_space<hbm>>) target(%arg11 : memref<5000xf32, #tpu.memory_space<vmem>>) target_semaphore(%arg24 : memref<!tpu.dma_semaphore, #tpu.memory_space<semaphore_mem>>)
    %dma_start3A_36 = arith.constant 0 : i32
    %dma_start3A_37 = tpu.memref_slice %arg4[%dma_start3A_36] : memref<640000xf32, #tpu.memory_space<hbm>> -> memref<5000xf32, #tpu.memory_space<hbm>>
    %dma_start3A_38 = arith.constant 0 : i32
    %dma_start3A_39 = tpu.memref_slice %arg4[%dma_start3A_38] : memref<640000xf32, #tpu.memory_space<hbm>> -> memref<5000xf32, #tpu.memory_space<hbm>>
    tpu.enqueue_dma source(%dma_start3A_39 : memref<5000xf32, #tpu.memory_space<hbm>>) target(%arg12 : memref<5000xf32, #tpu.memory_space<vmem>>) target_semaphore(%arg24 : memref<!tpu.dma_semaphore, #tpu.memory_space<semaphore_mem>>)
    %dma_start3A_40 = arith.constant 0 : i32
    %dma_start3A_41 = tpu.memref_slice %arg5[%dma_start3A_40] : memref<640000xi32, #tpu.memory_space<hbm>> -> memref<5000xi32, #tpu.memory_space<hbm>>
    %dma_start3A_42 = arith.constant 0 : i32
    %dma_start3A_43 = tpu.memref_slice %arg5[%dma_start3A_42] : memref<640000xi32, #tpu.memory_space<hbm>> -> memref<5000xi32, #tpu.memory_space<hbm>>
    tpu.enqueue_dma source(%dma_start3A_43 : memref<5000xi32, #tpu.memory_space<hbm>>) target(%arg13 : memref<5000xi32, #tpu.memory_space<vmem>>) target_semaphore(%arg24 : memref<!tpu.dma_semaphore, #tpu.memory_space<semaphore_mem>>)
    %dma_start3A_44 = arith.constant 0 : i32
    %dma_start3A_45 = tpu.memref_slice %arg6[%dma_start3A_44] : memref<640000xi32, #tpu.memory_space<hbm>> -> memref<5000xi32, #tpu.memory_space<hbm>>
    %dma_start3A_46 = arith.constant 0 : i32
    %dma_start3A_47 = tpu.memref_slice %arg6[%dma_start3A_46] : memref<640000xi32, #tpu.memory_space<hbm>> -> memref<5000xi32, #tpu.memory_space<hbm>>
    tpu.enqueue_dma source(%dma_start3A_47 : memref<5000xi32, #tpu.memory_space<hbm>>) target(%arg14 : memref<5000xi32, #tpu.memory_space<vmem>>) target_semaphore(%arg24 : memref<!tpu.dma_semaphore, #tpu.memory_space<semaphore_mem>>)
    %scan3A = arith.constant 0 : i32
    %scan3A_48 = arith.constant 64 : i32
    %scan3A_49 = arith.addi %scan3A, %scan3A_48 : i32
    %scan3A_50 = arith.constant 1 : i32
    scf.for %scan3A_58 = %scan3A to %scan3A_49 step %scan3A_50  : i32 {
      %mul3A_59 = arith.constant 2 : i32
      %mul3A_60 = arith.muli %scan3A_58, %mul3A_59 : i32
      %add3A_61 = arith.constant 1 : i32
      %add3A_62 = arith.addi %mul3A_60, %add3A_61 : i32
      %mul3A_63 = arith.constant 5000 : i32
      %mul3A_64 = arith.muli %add3A_62, %mul3A_63 : i32
      %dma_start3A_65 = tpu.memref_slice %arg2[%mul3A_64] : memref<640000xf32, #tpu.memory_space<hbm>> -> memref<5000xf32, #tpu.memory_space<hbm>>
      %dma_start3A_66 = tpu.memref_slice %arg2[%mul3A_64] : memref<640000xf32, #tpu.memory_space<hbm>> -> memref<5000xf32, #tpu.memory_space<hbm>>
      tpu.enqueue_dma source(%dma_start3A_66 : memref<5000xf32, #tpu.memory_space<hbm>>) target(%arg15 : memref<5000xf32, #tpu.memory_space<vmem>>) target_semaphore(%arg25 : memref<!tpu.dma_semaphore, #tpu.memory_space<semaphore_mem>>)
      %dma_start3A_67 = tpu.memref_slice %arg3[%mul3A_64] : memref<640000xf32, #tpu.memory_space<hbm>> -> memref<5000xf32, #tpu.memory_space<hbm>>
      %dma_start3A_68 = tpu.memref_slice %arg3[%mul3A_64] : memref<640000xf32, #tpu.memory_space<hbm>> -> memref<5000xf32, #tpu.memory_space<hbm>>
      tpu.enqueue_dma source(%dma_start3A_68 : memref<5000xf32, #tpu.memory_space<hbm>>) target(%arg16 : memref<5000xf32, #tpu.memory_space<vmem>>) target_semaphore(%arg25 : memref<!tpu.dma_semaphore, #tpu.memory_space<semaphore_mem>>)
      %dma_start3A_69 = tpu.memref_slice %arg4[%mul3A_64] : memref<640000xf32, #tpu.memory_space<hbm>> -> memref<5000xf32, #tpu.memory_space<hbm>>
      %dma_start3A_70 = tpu.memref_slice %arg4[%mul3A_64] : memref<640000xf32, #tpu.memory_space<hbm>> -> memref<5000xf32, #tpu.memory_space<hbm>>
      tpu.enqueue_dma source(%dma_start3A_70 : memref<5000xf32, #tpu.memory_space<hbm>>) target(%arg17 : memref<5000xf32, #tpu.memory_space<vmem>>) target_semaphore(%arg25 : memref<!tpu.dma_semaphore, #tpu.memory_space<semaphore_mem>>)
      %dma_start3A_71 = tpu.memref_slice %arg5[%mul3A_64] : memref<640000xi32, #tpu.memory_space<hbm>> -> memref<5000xi32, #tpu.memory_space<hbm>>
      %dma_start3A_72 = tpu.memref_slice %arg5[%mul3A_64] : memref<640000xi32, #tpu.memory_space<hbm>> -> memref<5000xi32, #tpu.memory_space<hbm>>
      tpu.enqueue_dma source(%dma_start3A_72 : memref<5000xi32, #tpu.memory_space<hbm>>) target(%arg18 : memref<5000xi32, #tpu.memory_space<vmem>>) target_semaphore(%arg25 : memref<!tpu.dma_semaphore, #tpu.memory_space<semaphore_mem>>)
      %dma_start3A_73 = tpu.memref_slice %arg6[%mul3A_64] : memref<640000xi32, #tpu.memory_space<hbm>> -> memref<5000xi32, #tpu.memory_space<hbm>>
      %dma_start3A_74 = tpu.memref_slice %arg6[%mul3A_64] : memref<640000xi32, #tpu.memory_space<hbm>> -> memref<5000xi32, #tpu.memory_space<hbm>>
      tpu.enqueue_dma source(%dma_start3A_74 : memref<5000xi32, #tpu.memory_space<hbm>>) target(%arg19 : memref<5000xi32, #tpu.memory_space<vmem>>) target_semaphore(%arg25 : memref<!tpu.dma_semaphore, #tpu.memory_space<semaphore_mem>>)
      %mul3A_75 = arith.constant 5000 : i32
      %mul3A_76 = arith.muli %mul3A_60, %mul3A_75 : i32
      %dma_wait3A = tpu.memref_slice %arg2[%mul3A_76] : memref<640000xf32, #tpu.memory_space<hbm>> -> memref<5000xf32, #tpu.memory_space<hbm>>
      %dma_wait3A_77 = tpu.memref_slice %arg2[%mul3A_76] : memref<640000xf32, #tpu.memory_space<hbm>> -> memref<5000xf32, #tpu.memory_space<hbm>>
      tpu.wait_dma2 semaphore(%arg24 : memref<!tpu.dma_semaphore, #tpu.memory_space<semaphore_mem>>) src(%dma_wait3A_77 : memref<5000xf32, #tpu.memory_space<hbm>>) dst(%arg10 : memref<5000xf32, #tpu.memory_space<vmem>>)
      %dma_wait3A_78 = tpu.memref_slice %arg3[%mul3A_76] : memref<640000xf32, #tpu.memory_space<hbm>> -> memref<5000xf32, #tpu.memory_space<hbm>>
      %dma_wait3A_79 = tpu.memref_slice %arg3[%mul3A_76] : memref<640000xf32, #tpu.memory_space<hbm>> -> memref<5000xf32, #tpu.memory_space<hbm>>
      tpu.wait_dma2 semaphore(%arg24 : memref<!tpu.dma_semaphore, #tpu.memory_space<semaphore_mem>>) src(%dma_wait3A_79 : memref<5000xf32, #tpu.memory_space<hbm>>) dst(%arg11 : memref<5000xf32, #tpu.memory_space<vmem>>)
      %dma_wait3A_80 = tpu.memref_slice %arg4[%mul3A_76] : memref<640000xf32, #tpu.memory_space<hbm>> -> memref<5000xf32, #tpu.memory_space<hbm>>
      %dma_wait3A_81 = tpu.memref_slice %arg4[%mul3A_76] : memref<640000xf32, #tpu.memory_space<hbm>> -> memref<5000xf32, #tpu.memory_space<hbm>>
      tpu.wait_dma2 semaphore(%arg24 : memref<!tpu.dma_semaphore, #tpu.memory_space<semaphore_mem>>) src(%dma_wait3A_81 : memref<5000xf32, #tpu.memory_space<hbm>>) dst(%arg12 : memref<5000xf32, #tpu.memory_space<vmem>>)
      %dma_wait3A_82 = tpu.memref_slice %arg5[%mul3A_76] : memref<640000xi32, #tpu.memory_space<hbm>> -> memref<5000xi32, #tpu.memory_space<hbm>>
      %dma_wait3A_83 = tpu.memref_slice %arg5[%mul3A_76] : memref<640000xi32, #tpu.memory_space<hbm>> -> memref<5000xi32, #tpu.memory_space<hbm>>
      tpu.wait_dma2 semaphore(%arg24 : memref<!tpu.dma_semaphore, #tpu.memory_space<semaphore_mem>>) src(%dma_wait3A_83 : memref<5000xi32, #tpu.memory_space<hbm>>) dst(%arg13 : memref<5000xi32, #tpu.memory_space<vmem>>)
      %dma_wait3A_84 = tpu.memref_slice %arg6[%mul3A_76] : memref<640000xi32, #tpu.memory_space<hbm>> -> memref<5000xi32, #tpu.memory_space<hbm>>
      %dma_wait3A_85 = tpu.memref_slice %arg6[%mul3A_76] : memref<640000xi32, #tpu.memory_space<hbm>> -> memref<5000xi32, #tpu.memory_space<hbm>>
      tpu.wait_dma2 semaphore(%arg24 : memref<!tpu.dma_semaphore, #tpu.memory_space<semaphore_mem>>) src(%dma_wait3A_85 : memref<5000xi32, #tpu.memory_space<hbm>>) dst(%arg14 : memref<5000xi32, #tpu.memory_space<vmem>>)
      %parallel_loop3A_86 = arith.constant 0 : i32
      %parallel_loop3A_87 = arith.constant 312 : i32
      %parallel_loop3A_88 = arith.constant 1 : i32
      scf.for %parallel_loop3A_159 = %parallel_loop3A_86 to %parallel_loop3A_87 step %parallel_loop3A_88  : i32 {
        %parallel_loop3A_160 = arith.constant 16 : i32
        %parallel_loop3A_161 = arith.muli %parallel_loop3A_159, %parallel_loop3A_160 : i32
        %parallel_loop3A_162 = arith.index_cast %parallel_loop3A_161 : i32 to index
        %parallel_loop3A_163 = tpu.vector_load %arg10[%parallel_loop3A_162] {strides = array<i32>} : memref<5000xf32, #tpu.memory_space<vmem>>, vector<16xf32>,
        %parallel_loop3A_164 = arith.index_cast %parallel_loop3A_161 : i32 to index
        %parallel_loop3A_165 = tpu.vector_load %arg11[%parallel_loop3A_164] {strides = array<i32>} : memref<5000xf32, #tpu.memory_space<vmem>>, vector<16xf32>,
        %parallel_loop3A_166 = arith.index_cast %parallel_loop3A_161 : i32 to index
        %parallel_loop3A_167 = tpu.vector_load %arg12[%parallel_loop3A_166] {strides = array<i32>} : memref<5000xf32, #tpu.memory_space<vmem>>, vector<16xf32>,
        %parallel_loop3A_168 = arith.index_cast %parallel_loop3A_161 : i32 to index
        %parallel_loop3A_169 = tpu.vector_load %arg13[%parallel_loop3A_168] {strides = array<i32>} : memref<5000xi32, #tpu.memory_space<vmem>>, vector<16xi32>,
        %parallel_loop3A_170 = arith.index_cast %parallel_loop3A_161 : i32 to index
        %parallel_loop3A_171 = tpu.vector_load %arg14[%parallel_loop3A_170] {strides = array<i32>} : memref<5000xi32, #tpu.memory_space<vmem>>, vector<16xi32>,
        %parallel_loop3A_172 = arith.mulf %parallel_loop3A_163, %gather3A : vector<16xf32>
        %parallel_loop3A_173 = arith.mulf %parallel_loop3A_165, %gather3A_4 : vector<16xf32>
        %parallel_loop3A_174 = arith.addf %parallel_loop3A_172, %parallel_loop3A_173 : vector<16xf32>
        %parallel_loop3A_175 = arith.mulf %parallel_loop3A_167, %gather3A_7 : vector<16xf32>
        %parallel_loop3A_176 = arith.addf %parallel_loop3A_174, %parallel_loop3A_175 : vector<16xf32>
        %parallel_loop3A_177 = arith.addf %parallel_loop3A_176, %gather3A_10 : vector<16xf32>
        %parallel_loop3A_178 = arith.addf %parallel_loop3A_177, %parallel_loop3A_177 : vector<16xf32>
        %parallel_loop3A_179 = math.exp %parallel_loop3A_178 : vector<16xf32>
        %parallel_loop3A_180 = arith.constant 1.000000e+00 : f32
        %parallel_loop3A_181 = vector.broadcast %parallel_loop3A_180 : f32 to vector<16xf32>
        %parallel_loop3A_182 = arith.addf %parallel_loop3A_179, %parallel_loop3A_181 : vector<16xf32>
        %parallel_loop3A_183 = arith.constant 2.000000e+00 : f32
        %parallel_loop3A_184 = vector.broadcast %parallel_loop3A_183 : f32 to vector<16xf32>
        %parallel_loop3A_185 = arith.divf %parallel_loop3A_184, %parallel_loop3A_182 : vector<16xf32>
        %parallel_loop3A_186 = arith.constant 1.000000e+00 : f32
        %parallel_loop3A_187 = vector.broadcast %parallel_loop3A_186 : f32 to vector<16xf32>
        %parallel_loop3A_188 = arith.subf %parallel_loop3A_187, %parallel_loop3A_185 : vector<16xf32>
        %parallel_loop3A_189 = arith.mulf %parallel_loop3A_163, %gather3A_13 : vector<16xf32>
        %parallel_loop3A_190 = arith.mulf %parallel_loop3A_165, %gather3A_16 : vector<16xf32>
        %parallel_loop3A_191 = arith.addf %parallel_loop3A_189, %parallel_loop3A_190 : vector<16xf32>
        %parallel_loop3A_192 = arith.mulf %parallel_loop3A_167, %gather3A_19 : vector<16xf32>
        %parallel_loop3A_193 = arith.addf %parallel_loop3A_191, %parallel_loop3A_192 : vector<16xf32>
        %parallel_loop3A_194 = arith.addf %parallel_loop3A_193, %gather3A_22 : vector<16xf32>
        %parallel_loop3A_195 = arith.addf %parallel_loop3A_194, %parallel_loop3A_194 : vector<16xf32>
        %parallel_loop3A_196 = math.exp %parallel_loop3A_195 : vector<16xf32>
        %parallel_loop3A_197 = arith.constant 1.000000e+00 : f32
        %parallel_loop3A_198 = vector.broadcast %parallel_loop3A_197 : f32 to vector<16xf32>
        %parallel_loop3A_199 = arith.addf %parallel_loop3A_196, %parallel_loop3A_198 : vector<16xf32>
        %parallel_loop3A_200 = arith.constant 2.000000e+00 : f32
        %parallel_loop3A_201 = vector.broadcast %parallel_loop3A_200 : f32 to vector<16xf32>
        %parallel_loop3A_202 = arith.divf %parallel_loop3A_201, %parallel_loop3A_199 : vector<16xf32>
        %parallel_loop3A_203 = arith.constant 1.000000e+00 : f32
        %parallel_loop3A_204 = vector.broadcast %parallel_loop3A_203 : f32 to vector<16xf32>
        %parallel_loop3A_205 = arith.subf %parallel_loop3A_204, %parallel_loop3A_202 : vector<16xf32>
        tpu.vector_store_idx %arg21[%parallel_loop3A_169], %parallel_loop3A_188 {add = true} : memref<10240xf32, #tpu.memory_space<vmem>>[vector<16xi32>], vector<16xf32>,
        tpu.vector_store_idx %arg21[%parallel_loop3A_171], %parallel_loop3A_188 {add = true} : memref<10240xf32, #tpu.memory_space<vmem>>[vector<16xi32>], vector<16xf32>,
        tpu.vector_store_idx %arg22[%parallel_loop3A_169], %parallel_loop3A_205 {add = true} : memref<10240xf32, #tpu.memory_space<vmem>>[vector<16xi32>], vector<16xf32>,
        tpu.vector_store_idx %arg22[%parallel_loop3A_171], %parallel_loop3A_205 {add = true} : memref<10240xf32, #tpu.memory_space<vmem>>[vector<16xi32>], vector<16xf32>,
      } {sc.loop_unroll_factor = 4 : i64, sc.parallel_access}
      %jit3A = arith.constant 4 : i32
      %div3A = arith.divsi %mul3A_60, %jit3A : i32
      %sign3A = arith.constant 0 : i32
      %sign3A_89 = arith.cmpi sgt, %mul3A_60, %sign3A : i32
      %sign3A_90 = arith.extui %sign3A_89 : i1 to i32
      %sign3A_91 = arith.constant 0 : i32
      %sign3A_92 = arith.cmpi slt, %mul3A_60, %sign3A_91 : i32
      %sign3A_93 = arith.extui %sign3A_92 : i1 to i32
      %sign3A_94 = arith.subi %sign3A_90, %sign3A_93 : i32
      %sign3A_95 = arith.constant 0 : i32
      %sign3A_96 = arith.cmpi sgt, %jit3A, %sign3A_95 : i32
      %sign3A_97 = arith.extui %sign3A_96 : i1 to i32
      %sign3A_98 = arith.constant 0 : i32
      %sign3A_99 = arith.cmpi slt, %jit3A, %sign3A_98 : i32
      %sign3A_100 = arith.extui %sign3A_99 : i1 to i32
      %sign3A_101 = arith.subi %sign3A_97, %sign3A_100 : i32
      %ne3A = arith.cmpi ne, %sign3A_94, %sign3A_101 : i32
      %rem3A = arith.remsi %mul3A_60, %jit3A : i32
      %ne3A_102 = arith.constant 0 : i32
      %ne3A_103 = arith.cmpi ne, %rem3A, %ne3A_102 : i32
      %and3A = arith.andi %ne3A, %ne3A_103 : i1
      %sub3A = arith.constant 1 : i32
      %sub3A_104 = arith.subi %div3A, %sub3A : i32
      %select_n3A = arith.select %and3A, %sub3A_104, %div3A : i32
      %eq3A = arith.cmpi eq, %select_n3A, %add3A : i32
      %convert_element_type3A = arith.extui %eq3A : i1 to i32
      %cond3A = arith.constant 0 : i32
      %cond3A_105 = arith.cmpi ne, %convert_element_type3A, %cond3A : i32
      scf.if %cond3A_105 {
        %parallel_loop3A_159 = arith.constant 0 : i32
        %parallel_loop3A_160 = arith.constant 312 : i32
        %parallel_loop3A_161 = arith.constant 1 : i32
        scf.for %parallel_loop3A_162 = %parallel_loop3A_159 to %parallel_loop3A_160 step %parallel_loop3A_161  : i32 {
          %parallel_loop3A_163 = arith.constant 16 : i32
          %parallel_loop3A_164 = arith.muli %parallel_loop3A_162, %parallel_loop3A_163 : i32
          %parallel_loop3A_165 = arith.index_cast %parallel_loop3A_164 : i32 to index
          %parallel_loop3A_166 = tpu.vector_load %arg13[%parallel_loop3A_165] {strides = array<i32>} : memref<5000xi32, #tpu.memory_space<vmem>>, vector<16xi32>,
          %parallel_loop3A_167 = arith.index_cast %parallel_loop3A_164 : i32 to index
          %parallel_loop3A_168 = tpu.vector_load %arg14[%parallel_loop3A_167] {strides = array<i32>} : memref<5000xi32, #tpu.memory_space<vmem>>, vector<16xi32>,
          tpu.vector_store_idx %arg23[%parallel_loop3A_166], %broadcast_in_dim3A_26 {add = true} : memref<10240xf32, #tpu.memory_space<vmem>>[vector<16xi32>], vector<16xf32>,
          tpu.vector_store_idx %arg23[%parallel_loop3A_168], %broadcast_in_dim3A_26 {add = true} : memref<10240xf32, #tpu.memory_space<vmem>>[vector<16xi32>], vector<16xf32>,
        } {sc.loop_unroll_factor = 4 : i64, sc.parallel_access}
      } else {
      }
      %add3A_106 = arith.constant 2 : i32
      %add3A_107 = arith.addi %mul3A_60, %add3A_106 : i32
      %lt3A = arith.constant 128 : i32
      %lt3A_108 = arith.cmpi slt, %add3A_107, %lt3A : i32
      %convert_element_type3A_109 = arith.extui %lt3A_108 : i1 to i32
      %cond3A_110 = arith.constant 0 : i32
      %cond3A_111 = arith.cmpi ne, %convert_element_type3A_109, %cond3A_110 : i32
      scf.if %cond3A_111 {
        %add3A_159 = arith.constant 2 : i32
        %add3A_160 = arith.addi %mul3A_60, %add3A_159 : i32
        %mul3A_161 = arith.constant 5000 : i32
        %mul3A_162 = arith.muli %add3A_160, %mul3A_161 : i32
        %dma_start3A_163 = tpu.memref_slice %arg2[%mul3A_162] : memref<640000xf32, #tpu.memory_space<hbm>> -> memref<5000xf32, #tpu.memory_space<hbm>>
        %dma_start3A_164 = tpu.memref_slice %arg2[%mul3A_162] : memref<640000xf32, #tpu.memory_space<hbm>> -> memref<5000xf32, #tpu.memory_space<hbm>>
        tpu.enqueue_dma source(%dma_start3A_164 : memref<5000xf32, #tpu.memory_space<hbm>>) target(%arg10 : memref<5000xf32, #tpu.memory_space<vmem>>) target_semaphore(%arg24 : memref<!tpu.dma_semaphore, #tpu.memory_space<semaphore_mem>>)
        %dma_start3A_165 = tpu.memref_slice %arg3[%mul3A_162] : memref<640000xf32, #tpu.memory_space<hbm>> -> memref<5000xf32, #tpu.memory_space<hbm>>
        %dma_start3A_166 = tpu.memref_slice %arg3[%mul3A_162] : memref<640000xf32, #tpu.memory_space<hbm>> -> memref<5000xf32, #tpu.memory_space<hbm>>
        tpu.enqueue_dma source(%dma_start3A_166 : memref<5000xf32, #tpu.memory_space<hbm>>) target(%arg11 : memref<5000xf32, #tpu.memory_space<vmem>>) target_semaphore(%arg24 : memref<!tpu.dma_semaphore, #tpu.memory_space<semaphore_mem>>)
        %dma_start3A_167 = tpu.memref_slice %arg4[%mul3A_162] : memref<640000xf32, #tpu.memory_space<hbm>> -> memref<5000xf32, #tpu.memory_space<hbm>>
        %dma_start3A_168 = tpu.memref_slice %arg4[%mul3A_162] : memref<640000xf32, #tpu.memory_space<hbm>> -> memref<5000xf32, #tpu.memory_space<hbm>>
        tpu.enqueue_dma source(%dma_start3A_168 : memref<5000xf32, #tpu.memory_space<hbm>>) target(%arg12 : memref<5000xf32, #tpu.memory_space<vmem>>) target_semaphore(%arg24 : memref<!tpu.dma_semaphore, #tpu.memory_space<semaphore_mem>>)
        %dma_start3A_169 = tpu.memref_slice %arg5[%mul3A_162] : memref<640000xi32, #tpu.memory_space<hbm>> -> memref<5000xi32, #tpu.memory_space<hbm>>
        %dma_start3A_170 = tpu.memref_slice %arg5[%mul3A_162] : memref<640000xi32, #tpu.memory_space<hbm>> -> memref<5000xi32, #tpu.memory_space<hbm>>
        tpu.enqueue_dma source(%dma_start3A_170 : memref<5000xi32, #tpu.memory_space<hbm>>) target(%arg13 : memref<5000xi32, #tpu.memory_space<vmem>>) target_semaphore(%arg24 : memref<!tpu.dma_semaphore, #tpu.memory_space<semaphore_mem>>)
        %dma_start3A_171 = tpu.memref_slice %arg6[%mul3A_162] : memref<640000xi32, #tpu.memory_space<hbm>> -> memref<5000xi32, #tpu.memory_space<hbm>>
        %dma_start3A_172 = tpu.memref_slice %arg6[%mul3A_162] : memref<640000xi32, #tpu.memory_space<hbm>> -> memref<5000xi32, #tpu.memory_space<hbm>>
        tpu.enqueue_dma source(%dma_start3A_172 : memref<5000xi32, #tpu.memory_space<hbm>>) target(%arg14 : memref<5000xi32, #tpu.memory_space<vmem>>) target_semaphore(%arg24 : memref<!tpu.dma_semaphore, #tpu.memory_space<semaphore_mem>>)
      } else {
      }
      %add3A_112 = arith.constant 1 : i32
      %add3A_113 = arith.addi %mul3A_60, %add3A_112 : i32
      %mul3A_114 = arith.constant 5000 : i32
      %mul3A_115 = arith.muli %add3A_113, %mul3A_114 : i32
      %dma_wait3A_116 = tpu.memref_slice %arg2[%mul3A_115] : memref<640000xf32, #tpu.memory_space<hbm>> -> memref<5000xf32, #tpu.memory_space<hbm>>
      %dma_wait3A_117 = tpu.memref_slice %arg2[%mul3A_115] : memref<640000xf32, #tpu.memory_space<hbm>> -> memref<5000xf32, #tpu.memory_space<hbm>>
      tpu.wait_dma2 semaphore(%arg25 : memref<!tpu.dma_semaphore, #tpu.memory_space<semaphore_mem>>) src(%dma_wait3A_117 : memref<5000xf32, #tpu.memory_space<hbm>>) dst(%arg15 : memref<5000xf32, #tpu.memory_space<vmem>>)
      %dma_wait3A_118 = tpu.memref_slice %arg3[%mul3A_115] : memref<640000xf32, #tpu.memory_space<hbm>> -> memref<5000xf32, #tpu.memory_space<hbm>>
      %dma_wait3A_119 = tpu.memref_slice %arg3[%mul3A_115] : memref<640000xf32, #tpu.memory_space<hbm>> -> memref<5000xf32, #tpu.memory_space<hbm>>
      tpu.wait_dma2 semaphore(%arg25 : memref<!tpu.dma_semaphore, #tpu.memory_space<semaphore_mem>>) src(%dma_wait3A_119 : memref<5000xf32, #tpu.memory_space<hbm>>) dst(%arg16 : memref<5000xf32, #tpu.memory_space<vmem>>)
      %dma_wait3A_120 = tpu.memref_slice %arg4[%mul3A_115] : memref<640000xf32, #tpu.memory_space<hbm>> -> memref<5000xf32, #tpu.memory_space<hbm>>
      %dma_wait3A_121 = tpu.memref_slice %arg4[%mul3A_115] : memref<640000xf32, #tpu.memory_space<hbm>> -> memref<5000xf32, #tpu.memory_space<hbm>>
      tpu.wait_dma2 semaphore(%arg25 : memref<!tpu.dma_semaphore, #tpu.memory_space<semaphore_mem>>) src(%dma_wait3A_121 : memref<5000xf32, #tpu.memory_space<hbm>>) dst(%arg17 : memref<5000xf32, #tpu.memory_space<vmem>>)
      %dma_wait3A_122 = tpu.memref_slice %arg5[%mul3A_115] : memref<640000xi32, #tpu.memory_space<hbm>> -> memref<5000xi32, #tpu.memory_space<hbm>>
      %dma_wait3A_123 = tpu.memref_slice %arg5[%mul3A_115] : memref<640000xi32, #tpu.memory_space<hbm>> -> memref<5000xi32, #tpu.memory_space<hbm>>
      tpu.wait_dma2 semaphore(%arg25 : memref<!tpu.dma_semaphore, #tpu.memory_space<semaphore_mem>>) src(%dma_wait3A_123 : memref<5000xi32, #tpu.memory_space<hbm>>) dst(%arg18 : memref<5000xi32, #tpu.memory_space<vmem>>)
      %dma_wait3A_124 = tpu.memref_slice %arg6[%mul3A_115] : memref<640000xi32, #tpu.memory_space<hbm>> -> memref<5000xi32, #tpu.memory_space<hbm>>
      %dma_wait3A_125 = tpu.memref_slice %arg6[%mul3A_115] : memref<640000xi32, #tpu.memory_space<hbm>> -> memref<5000xi32, #tpu.memory_space<hbm>>
      tpu.wait_dma2 semaphore(%arg25 : memref<!tpu.dma_semaphore, #tpu.memory_space<semaphore_mem>>) src(%dma_wait3A_125 : memref<5000xi32, #tpu.memory_space<hbm>>) dst(%arg19 : memref<5000xi32, #tpu.memory_space<vmem>>)
      %add3A_126 = arith.constant 1 : i32
      %add3A_127 = arith.addi %mul3A_60, %add3A_126 : i32
      %parallel_loop3A_128 = arith.constant 0 : i32
      %parallel_loop3A_129 = arith.constant 312 : i32
      %parallel_loop3A_130 = arith.constant 1 : i32
      scf.for %parallel_loop3A_159 = %parallel_loop3A_128 to %parallel_loop3A_129 step %parallel_loop3A_130  : i32 {
        %parallel_loop3A_160 = arith.constant 16 : i32
        %parallel_loop3A_161 = arith.muli %parallel_loop3A_159, %parallel_loop3A_160 : i32
        %parallel_loop3A_162 = arith.index_cast %parallel_loop3A_161 : i32 to index
        %parallel_loop3A_163 = tpu.vector_load %arg15[%parallel_loop3A_162] {strides = array<i32>} : memref<5000xf32, #tpu.memory_space<vmem>>, vector<16xf32>,
        %parallel_loop3A_164 = arith.index_cast %parallel_loop3A_161 : i32 to index
        %parallel_loop3A_165 = tpu.vector_load %arg16[%parallel_loop3A_164] {strides = array<i32>} : memref<5000xf32, #tpu.memory_space<vmem>>, vector<16xf32>,
        %parallel_loop3A_166 = arith.index_cast %parallel_loop3A_161 : i32 to index
        %parallel_loop3A_167 = tpu.vector_load %arg17[%parallel_loop3A_166] {strides = array<i32>} : memref<5000xf32, #tpu.memory_space<vmem>>, vector<16xf32>,
        %parallel_loop3A_168 = arith.index_cast %parallel_loop3A_161 : i32 to index
        %parallel_loop3A_169 = tpu.vector_load %arg18[%parallel_loop3A_168] {strides = array<i32>} : memref<5000xi32, #tpu.memory_space<vmem>>, vector<16xi32>,
        %parallel_loop3A_170 = arith.index_cast %parallel_loop3A_161 : i32 to index
        %parallel_loop3A_171 = tpu.vector_load %arg19[%parallel_loop3A_170] {strides = array<i32>} : memref<5000xi32, #tpu.memory_space<vmem>>, vector<16xi32>,
        %parallel_loop3A_172 = arith.mulf %parallel_loop3A_163, %gather3A : vector<16xf32>
        %parallel_loop3A_173 = arith.mulf %parallel_loop3A_165, %gather3A_4 : vector<16xf32>
        %parallel_loop3A_174 = arith.addf %parallel_loop3A_172, %parallel_loop3A_173 : vector<16xf32>
        %parallel_loop3A_175 = arith.mulf %parallel_loop3A_167, %gather3A_7 : vector<16xf32>
        %parallel_loop3A_176 = arith.addf %parallel_loop3A_174, %parallel_loop3A_175 : vector<16xf32>
        %parallel_loop3A_177 = arith.addf %parallel_loop3A_176, %gather3A_10 : vector<16xf32>
        %parallel_loop3A_178 = arith.addf %parallel_loop3A_177, %parallel_loop3A_177 : vector<16xf32>
        %parallel_loop3A_179 = math.exp %parallel_loop3A_178 : vector<16xf32>
        %parallel_loop3A_180 = arith.constant 1.000000e+00 : f32
        %parallel_loop3A_181 = vector.broadcast %parallel_loop3A_180 : f32 to vector<16xf32>
        %parallel_loop3A_182 = arith.addf %parallel_loop3A_179, %parallel_loop3A_181 : vector<16xf32>
        %parallel_loop3A_183 = arith.constant 2.000000e+00 : f32
        %parallel_loop3A_184 = vector.broadcast %parallel_loop3A_183 : f32 to vector<16xf32>
        %parallel_loop3A_185 = arith.divf %parallel_loop3A_184, %parallel_loop3A_182 : vector<16xf32>
        %parallel_loop3A_186 = arith.constant 1.000000e+00 : f32
        %parallel_loop3A_187 = vector.broadcast %parallel_loop3A_186 : f32 to vector<16xf32>
        %parallel_loop3A_188 = arith.subf %parallel_loop3A_187, %parallel_loop3A_185 : vector<16xf32>
        %parallel_loop3A_189 = arith.mulf %parallel_loop3A_163, %gather3A_13 : vector<16xf32>
        %parallel_loop3A_190 = arith.mulf %parallel_loop3A_165, %gather3A_16 : vector<16xf32>
        %parallel_loop3A_191 = arith.addf %parallel_loop3A_189, %parallel_loop3A_190 : vector<16xf32>
        %parallel_loop3A_192 = arith.mulf %parallel_loop3A_167, %gather3A_19 : vector<16xf32>
        %parallel_loop3A_193 = arith.addf %parallel_loop3A_191, %parallel_loop3A_192 : vector<16xf32>
        %parallel_loop3A_194 = arith.addf %parallel_loop3A_193, %gather3A_22 : vector<16xf32>
        %parallel_loop3A_195 = arith.addf %parallel_loop3A_194, %parallel_loop3A_194 : vector<16xf32>
        %parallel_loop3A_196 = math.exp %parallel_loop3A_195 : vector<16xf32>
        %parallel_loop3A_197 = arith.constant 1.000000e+00 : f32
        %parallel_loop3A_198 = vector.broadcast %parallel_loop3A_197 : f32 to vector<16xf32>
        %parallel_loop3A_199 = arith.addf %parallel_loop3A_196, %parallel_loop3A_198 : vector<16xf32>
        %parallel_loop3A_200 = arith.constant 2.000000e+00 : f32
        %parallel_loop3A_201 = vector.broadcast %parallel_loop3A_200 : f32 to vector<16xf32>
        %parallel_loop3A_202 = arith.divf %parallel_loop3A_201, %parallel_loop3A_199 : vector<16xf32>
        %parallel_loop3A_203 = arith.constant 1.000000e+00 : f32
        %parallel_loop3A_204 = vector.broadcast %parallel_loop3A_203 : f32 to vector<16xf32>
        %parallel_loop3A_205 = arith.subf %parallel_loop3A_204, %parallel_loop3A_202 : vector<16xf32>
        tpu.vector_store_idx %arg21[%parallel_loop3A_169], %parallel_loop3A_188 {add = true} : memref<10240xf32, #tpu.memory_space<vmem>>[vector<16xi32>], vector<16xf32>,
        tpu.vector_store_idx %arg21[%parallel_loop3A_171], %parallel_loop3A_188 {add = true} : memref<10240xf32, #tpu.memory_space<vmem>>[vector<16xi32>], vector<16xf32>,
        tpu.vector_store_idx %arg22[%parallel_loop3A_169], %parallel_loop3A_205 {add = true} : memref<10240xf32, #tpu.memory_space<vmem>>[vector<16xi32>], vector<16xf32>,
        tpu.vector_store_idx %arg22[%parallel_loop3A_171], %parallel_loop3A_205 {add = true} : memref<10240xf32, #tpu.memory_space<vmem>>[vector<16xi32>], vector<16xf32>,
      } {sc.loop_unroll_factor = 4 : i64, sc.parallel_access}
      %jit3A_131 = arith.constant 4 : i32
      %div3A_132 = arith.divsi %add3A_127, %jit3A_131 : i32
      %sign3A_133 = arith.constant 0 : i32
      %sign3A_134 = arith.cmpi sgt, %add3A_127, %sign3A_133 : i32
      %sign3A_135 = arith.extui %sign3A_134 : i1 to i32
      %sign3A_136 = arith.constant 0 : i32
      %sign3A_137 = arith.cmpi slt, %add3A_127, %sign3A_136 : i32
      %sign3A_138 = arith.extui %sign3A_137 : i1 to i32
      %sign3A_139 = arith.subi %sign3A_135, %sign3A_138 : i32
      %sign3A_140 = arith.constant 0 : i32
      %sign3A_141 = arith.cmpi sgt, %jit3A_131, %sign3A_140 : i32
      %sign3A_142 = arith.extui %sign3A_141 : i1 to i32
      %sign3A_143 = arith.constant 0 : i32
      %sign3A_144 = arith.cmpi slt, %jit3A_131, %sign3A_143 : i32
      %sign3A_145 = arith.extui %sign3A_144 : i1 to i32
      %sign3A_146 = arith.subi %sign3A_142, %sign3A_145 : i32
      %ne3A_147 = arith.cmpi ne, %sign3A_139, %sign3A_146 : i32
      %rem3A_148 = arith.remsi %add3A_127, %jit3A_131 : i32
      %ne3A_149 = arith.constant 0 : i32
      %ne3A_150 = arith.cmpi ne, %rem3A_148, %ne3A_149 : i32
      %and3A_151 = arith.andi %ne3A_147, %ne3A_150 : i1
      %sub3A_152 = arith.constant 1 : i32
      %sub3A_153 = arith.subi %div3A_132, %sub3A_152 : i32
      %select_n3A_154 = arith.select %and3A_151, %sub3A_153, %div3A_132 : i32
      %eq3A_155 = arith.cmpi eq, %select_n3A_154, %add3A : i32
      %convert_element_type3A_156 = arith.extui %eq3A_155 : i1 to i32
      %cond3A_157 = arith.constant 0 : i32
      %cond3A_158 = arith.cmpi ne, %convert_element_type3A_156, %cond3A_157 : i32
      scf.if %cond3A_158 {
        %parallel_loop3A_159 = arith.constant 0 : i32
        %parallel_loop3A_160 = arith.constant 312 : i32
        %parallel_loop3A_161 = arith.constant 1 : i32
        scf.for %parallel_loop3A_162 = %parallel_loop3A_159 to %parallel_loop3A_160 step %parallel_loop3A_161  : i32 {
          %parallel_loop3A_163 = arith.constant 16 : i32
          %parallel_loop3A_164 = arith.muli %parallel_loop3A_162, %parallel_loop3A_163 : i32
          %parallel_loop3A_165 = arith.index_cast %parallel_loop3A_164 : i32 to index
          %parallel_loop3A_166 = tpu.vector_load %arg18[%parallel_loop3A_165] {strides = array<i32>} : memref<5000xi32, #tpu.memory_space<vmem>>, vector<16xi32>,
          %parallel_loop3A_167 = arith.index_cast %parallel_loop3A_164 : i32 to index
          %parallel_loop3A_168 = tpu.vector_load %arg19[%parallel_loop3A_167] {strides = array<i32>} : memref<5000xi32, #tpu.memory_space<vmem>>, vector<16xi32>,
          tpu.vector_store_idx %arg23[%parallel_loop3A_166], %broadcast_in_dim3A_26 {add = true} : memref<10240xf32, #tpu.memory_space<vmem>>[vector<16xi32>], vector<16xf32>,
          tpu.vector_store_idx %arg23[%parallel_loop3A_168], %broadcast_in_dim3A_26 {add = true} : memref<10240xf32, #tpu.memory_space<vmem>>[vector<16xi32>], vector<16xf32>,
        } {sc.loop_unroll_factor = 4 : i64, sc.parallel_access}
      } else {
      }
    }
    %scan3A_51 = arith.constant 64 : i32
    %mul3A_52 = arith.constant 2 : i32
    %mul3A_53 = arith.muli %mul3A_52, %add3A : i32
    "tpu.region"() ({
      %run_scoped3A = tpu.sem_alloc : memref<!tpu.dma_semaphore, #tpu.memory_space<semaphore_mem>>
      %dma_start3A_58 = arith.constant 0 : i32
      %dma_start3A_59 = tpu.memref_slice %arg8[%mul3A_53, %dma_start3A_58] : memref<64x10240xf32, #tpu.memory_space<hbm>> -> memref<1x10240xf32, #tpu.memory_space<hbm>>
      %dma_start3A_60 = tpu.memref_squeeze %dma_start3A_59 : memref<1x10240xf32, #tpu.memory_space<hbm>> -> memref<10240xf32, #tpu.memory_space<hbm>>
      %dma_start3A_61 = arith.constant 0 : i32
      %dma_start3A_62 = tpu.memref_slice %arg8[%mul3A_53, %dma_start3A_61] : memref<64x10240xf32, #tpu.memory_space<hbm>> -> memref<1x10240xf32, #tpu.memory_space<hbm>>
      %dma_start3A_63 = tpu.memref_squeeze %dma_start3A_62 : memref<1x10240xf32, #tpu.memory_space<hbm>> -> memref<10240xf32, #tpu.memory_space<hbm>>
      tpu.enqueue_dma source(%arg21 : memref<10240xf32, #tpu.memory_space<vmem>>) target(%dma_start3A_63 : memref<10240xf32, #tpu.memory_space<hbm>>) target_semaphore(%run_scoped3A : memref<!tpu.dma_semaphore, #tpu.memory_space<semaphore_mem>>)
      %dma_wait3A = arith.constant 0 : i32
      %dma_wait3A_64 = tpu.memref_slice %arg8[%mul3A_53, %dma_wait3A] : memref<64x10240xf32, #tpu.memory_space<hbm>> -> memref<1x10240xf32, #tpu.memory_space<hbm>>
      %dma_wait3A_65 = tpu.memref_squeeze %dma_wait3A_64 : memref<1x10240xf32, #tpu.memory_space<hbm>> -> memref<10240xf32, #tpu.memory_space<hbm>>
      %dma_wait3A_66 = arith.constant 0 : i32
      %dma_wait3A_67 = tpu.memref_slice %arg8[%mul3A_53, %dma_wait3A_66] : memref<64x10240xf32, #tpu.memory_space<hbm>> -> memref<1x10240xf32, #tpu.memory_space<hbm>>
      %dma_wait3A_68 = tpu.memref_squeeze %dma_wait3A_67 : memref<1x10240xf32, #tpu.memory_space<hbm>> -> memref<10240xf32, #tpu.memory_space<hbm>>
      tpu.wait_dma2 semaphore(%run_scoped3A : memref<!tpu.dma_semaphore, #tpu.memory_space<semaphore_mem>>) src(%arg21 : memref<10240xf32, #tpu.memory_space<vmem>>) dst(%dma_wait3A_68 : memref<10240xf32, #tpu.memory_space<hbm>>)
      tpu.yield
    }) : () -> ()
    %mul3A_54 = arith.constant 2 : i32
    %mul3A_55 = arith.muli %mul3A_54, %add3A : i32
    %add3A_56 = arith.constant 1 : i32
    %add3A_57 = arith.addi %mul3A_55, %add3A_56 : i32
    "tpu.region"() ({
      %run_scoped3A = tpu.sem_alloc : memref<!tpu.dma_semaphore, #tpu.memory_space<semaphore_mem>>
      %dma_start3A_58 = arith.constant 0 : i32
      %dma_start3A_59 = tpu.memref_slice %arg8[%add3A_57, %dma_start3A_58] : memref<64x10240xf32, #tpu.memory_space<hbm>> -> memref<1x10240xf32, #tpu.memory_space<hbm>>
      %dma_start3A_60 = tpu.memref_squeeze %dma_start3A_59 : memref<1x10240xf32, #tpu.memory_space<hbm>> -> memref<10240xf32, #tpu.memory_space<hbm>>
      %dma_start3A_61 = arith.constant 0 : i32
      %dma_start3A_62 = tpu.memref_slice %arg8[%add3A_57, %dma_start3A_61] : memref<64x10240xf32, #tpu.memory_space<hbm>> -> memref<1x10240xf32, #tpu.memory_space<hbm>>
      %dma_start3A_63 = tpu.memref_squeeze %dma_start3A_62 : memref<1x10240xf32, #tpu.memory_space<hbm>> -> memref<10240xf32, #tpu.memory_space<hbm>>
      tpu.enqueue_dma source(%arg22 : memref<10240xf32, #tpu.memory_space<vmem>>) target(%dma_start3A_63 : memref<10240xf32, #tpu.memory_space<hbm>>) target_semaphore(%run_scoped3A : memref<!tpu.dma_semaphore, #tpu.memory_space<semaphore_mem>>)
      %dma_wait3A = arith.constant 0 : i32
      %dma_wait3A_64 = tpu.memref_slice %arg8[%add3A_57, %dma_wait3A] : memref<64x10240xf32, #tpu.memory_space<hbm>> -> memref<1x10240xf32, #tpu.memory_space<hbm>>
      %dma_wait3A_65 = tpu.memref_squeeze %dma_wait3A_64 : memref<1x10240xf32, #tpu.memory_space<hbm>> -> memref<10240xf32, #tpu.memory_space<hbm>>
      %dma_wait3A_66 = arith.constant 0 : i32
      %dma_wait3A_67 = tpu.memref_slice %arg8[%add3A_57, %dma_wait3A_66] : memref<64x10240xf32, #tpu.memory_space<hbm>> -> memref<1x10240xf32, #tpu.memory_space<hbm>>
      %dma_wait3A_68 = tpu.memref_squeeze %dma_wait3A_67 : memref<1x10240xf32, #tpu.memory_space<hbm>> -> memref<10240xf32, #tpu.memory_space<hbm>>
      tpu.wait_dma2 semaphore(%run_scoped3A : memref<!tpu.dma_semaphore, #tpu.memory_space<semaphore_mem>>) src(%arg22 : memref<10240xf32, #tpu.memory_space<vmem>>) dst(%dma_wait3A_68 : memref<10240xf32, #tpu.memory_space<hbm>>)
      tpu.yield
    }) : () -> ()
    "tpu.region"() ({
      %run_scoped3A = tpu.sem_alloc : memref<!tpu.dma_semaphore, #tpu.memory_space<semaphore_mem>>
      %dma_start3A_58 = arith.constant 0 : i32
      %dma_start3A_59 = tpu.memref_slice %arg9[%add3A, %dma_start3A_58] : memref<32x10240xf32, #tpu.memory_space<hbm>> -> memref<1x10240xf32, #tpu.memory_space<hbm>>
      %dma_start3A_60 = tpu.memref_squeeze %dma_start3A_59 : memref<1x10240xf32, #tpu.memory_space<hbm>> -> memref<10240xf32, #tpu.memory_space<hbm>>
      %dma_start3A_61 = arith.constant 0 : i32
      %dma_start3A_62 = tpu.memref_slice %arg9[%add3A, %dma_start3A_61] : memref<32x10240xf32, #tpu.memory_space<hbm>> -> memref<1x10240xf32, #tpu.memory_space<hbm>>
      %dma_start3A_63 = tpu.memref_squeeze %dma_start3A_62 : memref<1x10240xf32, #tpu.memory_space<hbm>> -> memref<10240xf32, #tpu.memory_space<hbm>>
      tpu.enqueue_dma source(%arg23 : memref<10240xf32, #tpu.memory_space<vmem>>) target(%dma_start3A_63 : memref<10240xf32, #tpu.memory_space<hbm>>) target_semaphore(%run_scoped3A : memref<!tpu.dma_semaphore, #tpu.memory_space<semaphore_mem>>)
      %dma_wait3A = arith.constant 0 : i32
      %dma_wait3A_64 = tpu.memref_slice %arg9[%add3A, %dma_wait3A] : memref<32x10240xf32, #tpu.memory_space<hbm>> -> memref<1x10240xf32, #tpu.memory_space<hbm>>
      %dma_wait3A_65 = tpu.memref_squeeze %dma_wait3A_64 : memref<1x10240xf32, #tpu.memory_space<hbm>> -> memref<10240xf32, #tpu.memory_space<hbm>>
      %dma_wait3A_66 = arith.constant 0 : i32
      %dma_wait3A_67 = tpu.memref_slice %arg9[%add3A, %dma_wait3A_66] : memref<32x10240xf32, #tpu.memory_space<hbm>> -> memref<1x10240xf32, #tpu.memory_space<hbm>>
      %dma_wait3A_68 = tpu.memref_squeeze %dma_wait3A_67 : memref<1x10240xf32, #tpu.memory_space<hbm>> -> memref<10240xf32, #tpu.memory_space<hbm>>
      tpu.wait_dma2 semaphore(%run_scoped3A : memref<!tpu.dma_semaphore, #tpu.memory_space<semaphore_mem>>) src(%arg23 : memref<10240xf32, #tpu.memory_space<vmem>>) dst(%dma_wait3A_68 : memref<10240xf32, #tpu.memory_space<hbm>>)
      tpu.yield
    }) : () -> ()
    return
  }
}

module attributes {stable_mosaic.version = 14 : i64} {
  func.func @_tc1_body(%arg0: i32, %arg1: memref<64x1024xf32, #tpu.memory_space<vmem>>, %arg2: memref<32x1024xf32, #tpu.memory_space<vmem>>, %arg3: memref<1024x64xf32, #tpu.memory_space<vmem>>, %arg4: memref<64x64xf32, #tpu.memory_space<vmem>>, %arg5: memref<64x64xf32, #tpu.memory_space<vmem>>, %arg6: memref<64x64xf32, #tpu.memory_space<vmem>>, %arg7: memref<3x64xf32, #tpu.memory_space<vmem>>, %arg8: memref<1x1024xf32, #tpu.memory_space<vmem>>, %arg9: memref<1024x64xf32, #tpu.memory_space<vmem>>, %arg10: memref<72x1024xf32, #tpu.memory_space<vmem>>, %arg11: memref<1024x64xf32, #tpu.memory_space<vmem>>) attributes {dimension_semantics = [#tpu.dimension_semantics<arbitrary>], iteration_bounds = array<i64: 10>, scalar_prefetch = 0 : i64, scratch_operands = 0 : i64, tpu.core_type = #tpu.core_type<tc>, window_params = [{transform_indices = @transform_0, window_bounds = array<i64: 64, 1024>}, {transform_indices = @transform_1, window_bounds = array<i64: 32, 1024>}, {transform_indices = @transform_2, window_bounds = array<i64: 1024, 64>}, {pipeline_mode = #tpu.pipeline_mode<synchronous>, transform_indices = @transform_3, window_bounds = array<i64: 64, 64>}, {pipeline_mode = #tpu.pipeline_mode<synchronous>, transform_indices = @transform_4, window_bounds = array<i64: 64, 64>}, {pipeline_mode = #tpu.pipeline_mode<synchronous>, transform_indices = @transform_5, window_bounds = array<i64: 64, 64>}, {pipeline_mode = #tpu.pipeline_mode<synchronous>, transform_indices = @transform_6, window_bounds = array<i64: 3, 64>}, {transform_indices = @transform_7, window_bounds = array<i64: 1, 1024>}, {transform_indices = @transform_8, window_bounds = array<i64: 1024, 64>}, {transform_indices = @transform_9, window_bounds = array<i64: 72, 1024>}, {transform_indices = @transform_10, window_bounds = array<i64: 1024, 64>}]} {
    %get3A = arith.constant 0 : index
    %get3A_0 = arith.constant 0 : index
    %get3A_1 = vector.load %arg2[%get3A, %get3A_0] : memref<32x1024xf32, #tpu.memory_space<vmem>>, vector<32x1024xf32>
    %reduce_sum3A = arith.constant dense<0.000000e+00> : vector<1024xf32>
    %reduce_sum3A_2 = vector.multi_reduction <add>, %get3A_1, %reduce_sum3A [0] : vector<32x1024xf32> to vector<1024xf32>
    %broadcast_in_dim3A = vector.shape_cast %reduce_sum3A_2 : vector<1024xf32> to vector<1x1024xf32>
    %max3A = arith.constant 1.000000e+00 : f32
    %max3A_3 = vector.broadcast %max3A : f32 to vector<1x1024xf32>
    %max3A_4 = arith.maximumf %broadcast_in_dim3A, %max3A_3 : vector<1x1024xf32>
    %get3A_5 = arith.constant 0 : index
    %get3A_6 = arith.constant 0 : index
    %get3A_7 = vector.load %arg1[%get3A_5, %get3A_6] : memref<64x1024xf32, #tpu.memory_space<vmem>>, vector<64x1024xf32>
    %div3A = vector.broadcast %max3A_4 : vector<1x1024xf32> to vector<64x1024xf32>
    %div3A_8 = arith.divf %get3A_7, %div3A : vector<64x1024xf32>
    %get3A_9 = arith.constant 0 : index
    %get3A_10 = arith.constant 0 : index
    %get3A_11 = vector.load %arg3[%get3A_9, %get3A_10] : memref<1024x64xf32, #tpu.memory_space<vmem>>, vector<1024x64xf32>
    %transpose3A = tpu.transpose %div3A_8, [1, 0] : vector<64x1024xf32> -> vector<1024x64xf32>
    %add3A = arith.addf %get3A_11, %transpose3A : vector<1024x64xf32>
    %get3A_12 = arith.constant 0 : index
    %get3A_13 = arith.constant 0 : index
    %get3A_14 = vector.load %arg4[%get3A_12, %get3A_13] : memref<64x64xf32, #tpu.memory_space<vmem>>, vector<64x64xf32>
    %dot_general3A = arith.constant dense<0.000000e+00> : vector<1024x64xf32>
    %dot_general3A_15 = tpu.matmul %add3A, %get3A_14, %dot_general3A {dimension_numbers = #tpu.dot_dimension_numbers<[1], [0], [0], [1], [0, 0, 1, 1], [], []>, precision = #tpu.contract_precision<fp32>, transpose_lhs_hint = false} : vector<1024x64xf32>, vector<64x64xf32>, vector<1024x64xf32> -> vector<1024x64xf32>
    %get3A_16 = arith.constant 0 : index
    %get3A_17 = arith.constant 0 : index
    %get3A_18 = vector.load %arg7[%get3A_16, %get3A_17] : memref<3x64xf32, #tpu.memory_space<vmem>>, vector<1x64xf32>
    %add3A_19 = vector.broadcast %get3A_18 : vector<1x64xf32> to vector<1024x64xf32>
    %add3A_20 = arith.addf %dot_general3A_15, %add3A_19 : vector<1024x64xf32>
    %get3A_21 = arith.constant 0 : index
    %get3A_22 = arith.constant 0 : index
    %get3A_23 = vector.load %arg5[%get3A_21, %get3A_22] : memref<64x64xf32, #tpu.memory_space<vmem>>, vector<64x64xf32>
    %dot_general3A_24 = arith.constant dense<0.000000e+00> : vector<1024x64xf32>
    %dot_general3A_25 = tpu.matmul %add3A, %get3A_23, %dot_general3A_24 {dimension_numbers = #tpu.dot_dimension_numbers<[1], [0], [0], [1], [0, 0, 1, 1], [], []>, precision = #tpu.contract_precision<fp32>, transpose_lhs_hint = false} : vector<1024x64xf32>, vector<64x64xf32>, vector<1024x64xf32> -> vector<1024x64xf32>
    %get3A_26 = arith.constant 1 : index
    %get3A_27 = arith.constant 0 : index
    %get3A_28 = vector.load %arg7[%get3A_26, %get3A_27] : memref<3x64xf32, #tpu.memory_space<vmem>>, vector<1x64xf32>
    %add3A_29 = vector.broadcast %get3A_28 : vector<1x64xf32> to vector<1024x64xf32>
    %add3A_30 = arith.addf %dot_general3A_25, %add3A_29 : vector<1024x64xf32>
    %get3A_31 = arith.constant 0 : index
    %get3A_32 = arith.constant 0 : index
    %get3A_33 = vector.load %arg6[%get3A_31, %get3A_32] : memref<64x64xf32, #tpu.memory_space<vmem>>, vector<64x64xf32>
    %dot_general3A_34 = arith.constant dense<0.000000e+00> : vector<1024x64xf32>
    %dot_general3A_35 = tpu.matmul %add3A, %get3A_33, %dot_general3A_34 {dimension_numbers = #tpu.dot_dimension_numbers<[1], [0], [0], [1], [0, 0, 1, 1], [], []>, precision = #tpu.contract_precision<fp32>, transpose_lhs_hint = false} : vector<1024x64xf32>, vector<64x64xf32>, vector<1024x64xf32> -> vector<1024x64xf32>
    %get3A_36 = arith.constant 2 : index
    %get3A_37 = arith.constant 0 : index
    %get3A_38 = vector.load %arg7[%get3A_36, %get3A_37] : memref<3x64xf32, #tpu.memory_space<vmem>>, vector<1x64xf32>
    %add3A_39 = vector.broadcast %get3A_38 : vector<1x64xf32> to vector<1024x64xf32>
    %add3A_40 = arith.addf %dot_general3A_35, %add3A_39 : vector<1024x64xf32>
    %swap3A = arith.constant 0 : index
    %swap3A_41 = arith.constant 0 : index
    %swap3A_42 = vector.load %arg9[%swap3A, %swap3A_41] : memref<1024x64xf32, #tpu.memory_space<vmem>>, vector<1024x64xf32>
    tpu.vector_store %arg9[%swap3A, %swap3A_41], %add3A_20 {strides = array<i32>} : memref<1024x64xf32, #tpu.memory_space<vmem>>, vector<1024x64xf32>,
    %transpose3A_43 = tpu.transpose %add3A_30, [1, 0] : vector<1024x64xf32> -> vector<64x1024xf32>
    %swap3A_44 = arith.constant 0 : index
    %swap3A_45 = arith.constant 0 : index
    %swap3A_46 = vector.load %arg10[%swap3A_44, %swap3A_45] : memref<72x1024xf32, #tpu.memory_space<vmem>>, vector<64x1024xf32>
    tpu.vector_store %arg10[%swap3A_44, %swap3A_45], %transpose3A_43 {strides = array<i32>} : memref<72x1024xf32, #tpu.memory_space<vmem>>, vector<64x1024xf32>,
    %get3A_47 = arith.constant 0 : index
    %get3A_48 = arith.constant 0 : index
    %get3A_49 = vector.load %arg8[%get3A_47, %get3A_48] : memref<1x1024xf32, #tpu.memory_space<vmem>>, vector<1x1024xf32>
    %get3A_50 = vector.shape_cast %get3A_49 : vector<1x1024xf32> to vector<1x1024xf32>
    %broadcast_in_dim3A_51 = vector.shape_cast %get3A_50 : vector<1x1024xf32> to vector<1x1024xf32>
    %broadcast_in_dim3A_52 = vector.broadcast %broadcast_in_dim3A_51 : vector<1x1024xf32> to vector<8x1024xf32>
    %swap3A_53 = arith.constant 64 : index
    %swap3A_54 = arith.constant 0 : index
    %swap3A_55 = vector.load %arg10[%swap3A_53, %swap3A_54] : memref<72x1024xf32, #tpu.memory_space<vmem>>, vector<8x1024xf32>
    tpu.vector_store %arg10[%swap3A_53, %swap3A_54], %broadcast_in_dim3A_52 {strides = array<i32>} : memref<72x1024xf32, #tpu.memory_space<vmem>>, vector<8x1024xf32>,
    %swap3A_56 = arith.constant 0 : index
    %swap3A_57 = arith.constant 0 : index
    %swap3A_58 = vector.load %arg11[%swap3A_56, %swap3A_57] : memref<1024x64xf32, #tpu.memory_space<vmem>>, vector<1024x64xf32>
    tpu.vector_store %arg11[%swap3A_56, %swap3A_57], %add3A_40 {strides = array<i32>} : memref<1024x64xf32, #tpu.memory_space<vmem>>, vector<1024x64xf32>,
    return
  }
  func.func @transform_0(%arg0: i32) -> (i32, i32) {
    %c0_i32 = arith.constant 0 : i32
    %c0_i32_0 = arith.constant 0 : i32
    return %c0_i32, %arg0 : i32, i32
  }
  func.func @transform_1(%arg0: i32) -> (i32, i32) {
    %c0_i32 = arith.constant 0 : i32
    %c0_i32_0 = arith.constant 0 : i32
    return %c0_i32, %arg0 : i32, i32
  }
  func.func @transform_2(%arg0: i32) -> (i32, i32) {
    %c0_i32 = arith.constant 0 : i32
    %c0_i32_0 = arith.constant 0 : i32
    return %arg0, %c0_i32 : i32, i32
  }
  func.func @transform_3(%arg0: i32) -> (i32, i32) {
    %c0_i32 = arith.constant 0 : i32
    %c0_i32_0 = arith.constant 0 : i32
    %c0_i32_1 = arith.constant 0 : i32
    return %c0_i32, %c0_i32_0 : i32, i32
  }
  func.func @transform_4(%arg0: i32) -> (i32, i32) {
    %c0_i32 = arith.constant 0 : i32
    %c0_i32_0 = arith.constant 0 : i32
    %c0_i32_1 = arith.constant 0 : i32
    return %c0_i32, %c0_i32_0 : i32, i32
  }
  func.func @transform_5(%arg0: i32) -> (i32, i32) {
    %c0_i32 = arith.constant 0 : i32
    %c0_i32_0 = arith.constant 0 : i32
    %c0_i32_1 = arith.constant 0 : i32
    return %c0_i32, %c0_i32_0 : i32, i32
  }
  func.func @transform_6(%arg0: i32) -> (i32, i32) {
    %c0_i32 = arith.constant 0 : i32
    %c0_i32_0 = arith.constant 0 : i32
    %c0_i32_1 = arith.constant 0 : i32
    return %c0_i32, %c0_i32_0 : i32, i32
  }
  func.func @transform_7(%arg0: i32) -> (i32, i32) {
    %c0_i32 = arith.constant 0 : i32
    %c0_i32_0 = arith.constant 0 : i32
    return %c0_i32, %arg0 : i32, i32
  }
  func.func @transform_8(%arg0: i32) -> (i32, i32) {
    %c0_i32 = arith.constant 0 : i32
    %c0_i32_0 = arith.constant 0 : i32
    return %arg0, %c0_i32 : i32, i32
  }
  func.func @transform_9(%arg0: i32) -> (i32, i32) {
    %c0_i32 = arith.constant 0 : i32
    %c0_i32_0 = arith.constant 0 : i32
    return %c0_i32, %arg0 : i32, i32
  }
  func.func @transform_10(%arg0: i32) -> (i32, i32) {
    %c0_i32 = arith.constant 0 : i32
    %c0_i32_0 = arith.constant 0 : i32
    return %arg0, %c0_i32 : i32, i32
  }
}

module attributes {stable_mosaic.version = 14 : i64} {
  func.func @_tc2_body(%arg0: i32, %arg1: i32, %arg2: memref<1024x64xf32, #tpu.memory_space<vmem>>, %arg3: memref<72x2048xf32, #tpu.memory_space<vmem>>, %arg4: memref<2048x64xf32, #tpu.memory_space<vmem>>, %arg5: memref<1x4xf32, #tpu.memory_space<vmem>>, %arg6: memref<64x64xf32, #tpu.memory_space<vmem>>, %arg7: memref<1x64xf32, #tpu.memory_space<vmem>>, %arg8: memref<64x64xf32, #tpu.memory_space<vmem>>, %arg9: memref<1x64xf32, #tpu.memory_space<vmem>>, %arg10: memref<64x2xf32, #tpu.memory_space<vmem>>, %arg11: memref<1x2xf32, #tpu.memory_space<vmem>>, %arg12: memref<1024x2xf32, #tpu.memory_space<vmem>>, %arg13: memref<1024x64xf32, #tpu.memory_space<vmem>>, %arg14: memref<1024x4xf32, #tpu.memory_space<vmem>>) attributes {dimension_semantics = [#tpu.dimension_semantics<parallel>, #tpu.dimension_semantics<arbitrary>], iteration_bounds = array<i64: 10, 5>, scalar_prefetch = 0 : i64, scratch_operands = 2 : i64, tpu.core_type = #tpu.core_type<tc>, window_params = [{transform_indices = @transform_0, window_bounds = array<i64: 1024, 64>}, {transform_indices = @transform_1, window_bounds = array<i64: 72, 2048>}, {transform_indices = @transform_2, window_bounds = array<i64: 2048, 64>}, {pipeline_mode = #tpu.pipeline_mode<synchronous>, transform_indices = @transform_3, window_bounds = array<i64: 1, 4>}, {pipeline_mode = #tpu.pipeline_mode<synchronous>, transform_indices = @transform_4, window_bounds = array<i64: 64, 64>}, {pipeline_mode = #tpu.pipeline_mode<synchronous>, transform_indices = @transform_5, window_bounds = array<i64: 1, 64>}, {pipeline_mode = #tpu.pipeline_mode<synchronous>, transform_indices = @transform_6, window_bounds = array<i64: 64, 64>}, {pipeline_mode = #tpu.pipeline_mode<synchronous>, transform_indices = @transform_7, window_bounds = array<i64: 1, 64>}, {pipeline_mode = #tpu.pipeline_mode<synchronous>, transform_indices = @transform_8, window_bounds = array<i64: 64, 2>}, {pipeline_mode = #tpu.pipeline_mode<synchronous>, transform_indices = @transform_9, window_bounds = array<i64: 1, 2>}, {transform_indices = @transform_10, window_bounds = array<i64: 1024, 2>}]} {
    %eq3A = arith.constant 0 : i32
    %eq3A_0 = arith.cmpi eq, %arg1, %eq3A : i32
    %convert_element_type3A = arith.extui %eq3A_0 : i1 to i32
    %cond3A = arith.constant 0 : i32
    %cond3A_1 = arith.cmpi ne, %convert_element_type3A, %cond3A : i32
    scf.if %cond3A_1 {
      %broadcast_in_dim3A_199 = arith.constant 0.000000e+00 : f32
      %broadcast_in_dim3A_200 = vector.broadcast %broadcast_in_dim3A_199 : f32 to vector<1024x64xf32>
      %swap3A_201 = arith.constant 0 : index
      %swap3A_202 = arith.constant 0 : index
      %swap3A_203 = vector.load %arg13[%swap3A_201, %swap3A_202] : memref<1024x64xf32, #tpu.memory_space<vmem>>, vector<1024x64xf32>
      tpu.vector_store %arg13[%swap3A_201, %swap3A_202], %broadcast_in_dim3A_200 {strides = array<i32>} : memref<1024x64xf32, #tpu.memory_space<vmem>>, vector<1024x64xf32>,
      %broadcast_in_dim3A_204 = arith.constant 0.000000e+00 : f32
      %broadcast_in_dim3A_205 = vector.broadcast %broadcast_in_dim3A_204 : f32 to vector<1024x4xf32>
      %swap3A_206 = arith.constant 0 : index
      %swap3A_207 = arith.constant 0 : index
      %swap3A_208 = vector.load %arg14[%swap3A_206, %swap3A_207] : memref<1024x4xf32, #tpu.memory_space<vmem>>, vector<1024x4xf32>
      tpu.vector_store %arg14[%swap3A_206, %swap3A_207], %broadcast_in_dim3A_205 {strides = array<i32>} : memref<1024x4xf32, #tpu.memory_space<vmem>>, vector<1024x4xf32>,
    } else {
    }
    %get3A = arith.constant 0 : index
    %get3A_2 = arith.constant 0 : index
    %get3A_3 = vector.load %arg2[%get3A, %get3A_2] : memref<1024x64xf32, #tpu.memory_space<vmem>>, vector<1024x64xf32>
    %get3A_4 = arith.constant 0 : index
    %get3A_5 = arith.constant 0 : index
    %get3A_6 = vector.load %arg3[%get3A_4, %get3A_5] : memref<72x2048xf32, #tpu.memory_space<vmem>>, vector<72x2048xf32>
    %broadcast_in_dim3A = arith.constant 1.000000e+00 : f32
    %broadcast_in_dim3A_7 = vector.broadcast %broadcast_in_dim3A : f32 to vector<1024x1xf32>
    %slice3A = vector.extract_strided_slice %get3A_3 {offsets = [0, 0], sizes = [1024, 16], strides = [1, 1]} : vector<1024x64xf32> to vector<1024x16xf32>
    %mul3A = arith.constant 2.500000e-01 : f32
    %mul3A_8 = vector.broadcast %mul3A : f32 to vector<1024x16xf32>
    %mul3A_9 = arith.mulf %slice3A, %mul3A_8 : vector<1024x16xf32>
    %mul3A_10 = arith.mulf %mul3A_9, %mul3A_9 : vector<1024x16xf32>
    %reduce_sum3A = arith.constant dense<0.000000e+00> : vector<1024xf32>
    %reduce_sum3A_11 = vector.multi_reduction <add>, %mul3A_10, %reduce_sum3A [1] : vector<1024x16xf32> to vector<1024xf32>
    %broadcast_in_dim3A_12 = vector.shape_cast %reduce_sum3A_11 : vector<1024xf32> to vector<1024x1xf32>
    %sqrt3A = math.sqrt %broadcast_in_dim3A_12 : vector<1024x1xf32>
    %get3A_13 = arith.constant 0 : index
    %get3A_14 = arith.constant 0 : index
    %get3A_15 = vector.load %arg5[%get3A_13, %get3A_14] : memref<1x4xf32, #tpu.memory_space<vmem>>, vector<1x1xf32>
    %get3A_16 = vector.extract %get3A_15[0, 0] : f32 from vector<1x1xf32>
    %mul3A_17 = vector.broadcast %get3A_16 : f32 to vector<1024x1xf32>
    %mul3A_18 = arith.mulf %sqrt3A, %mul3A_17 : vector<1024x1xf32>
    %neg3A = arith.constant 0.000000e+00 : f32
    %neg3A_19 = vector.broadcast %neg3A : f32 to vector<1024x1xf32>
    %neg3A_20 = arith.subf %neg3A_19, %mul3A_18 : vector<1024x1xf32>
    %concatenate3A = tpu.concatenate %mul3A_9, %broadcast_in_dim3A_7, %neg3A_20 in 1 : vector<1024x16xf32>, vector<1024x1xf32>, vector<1024x1xf32> -> vector<1024x18xf32>
    %slice3A_21 = vector.extract_strided_slice %get3A_6 {offsets = [0, 0], sizes = [16, 2048], strides = [1, 1]} : vector<72x2048xf32> to vector<16x2048xf32>
    %slice3A_22 = vector.extract_strided_slice %get3A_6 {offsets = [64, 0], sizes = [1, 2048], strides = [1, 1]} : vector<72x2048xf32> to vector<1x2048xf32>
    %broadcast_in_dim3A_23 = arith.constant 1.000000e+00 : f32
    %broadcast_in_dim3A_24 = vector.broadcast %broadcast_in_dim3A_23 : f32 to vector<1x2048xf32>
    %concatenate3A_25 = tpu.concatenate %slice3A_21, %slice3A_22, %broadcast_in_dim3A_24 in 0 : vector<16x2048xf32>, vector<1x2048xf32>, vector<1x2048xf32> -> vector<18x2048xf32>
    %dot_general3A = arith.constant dense<0.000000e+00> : vector<1024x2048xf32>
    %dot_general3A_26 = tpu.matmul %concatenate3A, %concatenate3A_25, %dot_general3A {dimension_numbers = #tpu.dot_dimension_numbers<[1], [0], [0], [1], [0, 0, 1, 1], [], []>, transpose_lhs_hint = false} : vector<1024x18xf32>, vector<18x2048xf32>, vector<1024x2048xf32> -> vector<1024x2048xf32>
    %exp3A = math.exp %dot_general3A_26 : vector<1024x2048xf32>
    %get3A_27 = arith.constant 0 : index
    %get3A_28 = arith.constant 0 : index
    %get3A_29 = vector.load %arg14[%get3A_27, %get3A_28] : memref<1024x4xf32, #tpu.memory_space<vmem>>, vector<1024x1xf32>
    %reduce_sum3A_30 = arith.constant dense<0.000000e+00> : vector<1024xf32>
    %reduce_sum3A_31 = vector.multi_reduction <add>, %exp3A, %reduce_sum3A_30 [1] : vector<1024x2048xf32> to vector<1024xf32>
    %broadcast_in_dim3A_32 = vector.shape_cast %reduce_sum3A_31 : vector<1024xf32> to vector<1024x1xf32>
    %add3A = arith.addf %get3A_29, %broadcast_in_dim3A_32 : vector<1024x1xf32>
    %swap3A = arith.constant 0 : index
    %swap3A_33 = arith.constant 0 : index
    %swap3A_34 = vector.load %arg14[%swap3A, %swap3A_33] : memref<1024x4xf32, #tpu.memory_space<vmem>>, vector<1024x1xf32>
    tpu.vector_store %arg14[%swap3A, %swap3A_33], %add3A {strides = array<i32>} : memref<1024x4xf32, #tpu.memory_space<vmem>>, vector<1024x1xf32>,
    %get3A_35 = arith.constant 0 : index
    %get3A_36 = arith.constant 0 : index
    %get3A_37 = vector.load %arg13[%get3A_35, %get3A_36] : memref<1024x64xf32, #tpu.memory_space<vmem>>, vector<1024x16xf32>
    %get3A_38 = arith.constant 0 : index
    %get3A_39 = arith.constant 0 : index
    %get3A_40 = vector.load %arg4[%get3A_38, %get3A_39] : memref<2048x64xf32, #tpu.memory_space<vmem>>, vector<2048x16xf32>
    %dot_general3A_41 = arith.constant dense<0.000000e+00> : vector<1024x16xf32>
    %dot_general3A_42 = tpu.matmul %exp3A, %get3A_40, %dot_general3A_41 {dimension_numbers = #tpu.dot_dimension_numbers<[1], [0], [0], [1], [0, 0, 1, 1], [], []>, transpose_lhs_hint = false} : vector<1024x2048xf32>, vector<2048x16xf32>, vector<1024x16xf32> -> vector<1024x16xf32>
    %add3A_43 = arith.addf %get3A_37, %dot_general3A_42 : vector<1024x16xf32>
    %swap3A_44 = arith.constant 0 : index
    %swap3A_45 = arith.constant 0 : index
    %swap3A_46 = vector.load %arg13[%swap3A_44, %swap3A_45] : memref<1024x64xf32, #tpu.memory_space<vmem>>, vector<1024x16xf32>
    tpu.vector_store %arg13[%swap3A_44, %swap3A_45], %add3A_43 {strides = array<i32>} : memref<1024x64xf32, #tpu.memory_space<vmem>>, vector<1024x16xf32>,
    %slice3A_47 = vector.extract_strided_slice %get3A_3 {offsets = [0, 16], sizes = [1024, 16], strides = [1, 1]} : vector<1024x64xf32> to vector<1024x16xf32>
    %mul3A_48 = arith.constant 2.500000e-01 : f32
    %mul3A_49 = vector.broadcast %mul3A_48 : f32 to vector<1024x16xf32>
    %mul3A_50 = arith.mulf %slice3A_47, %mul3A_49 : vector<1024x16xf32>
    %mul3A_51 = arith.mulf %mul3A_50, %mul3A_50 : vector<1024x16xf32>
    %reduce_sum3A_52 = arith.constant dense<0.000000e+00> : vector<1024xf32>
    %reduce_sum3A_53 = vector.multi_reduction <add>, %mul3A_51, %reduce_sum3A_52 [1] : vector<1024x16xf32> to vector<1024xf32>
    %broadcast_in_dim3A_54 = vector.shape_cast %reduce_sum3A_53 : vector<1024xf32> to vector<1024x1xf32>
    %sqrt3A_55 = math.sqrt %broadcast_in_dim3A_54 : vector<1024x1xf32>
    %get3A_56 = arith.constant 0 : index
    %get3A_57 = arith.constant 1 : index
    %get3A_58 = vector.load %arg5[%get3A_56, %get3A_57] : memref<1x4xf32, #tpu.memory_space<vmem>>, vector<1x1xf32>
    %get3A_59 = vector.extract %get3A_58[0, 0] : f32 from vector<1x1xf32>
    %mul3A_60 = vector.broadcast %get3A_59 : f32 to vector<1024x1xf32>
    %mul3A_61 = arith.mulf %sqrt3A_55, %mul3A_60 : vector<1024x1xf32>
    %neg3A_62 = arith.constant 0.000000e+00 : f32
    %neg3A_63 = vector.broadcast %neg3A_62 : f32 to vector<1024x1xf32>
    %neg3A_64 = arith.subf %neg3A_63, %mul3A_61 : vector<1024x1xf32>
    %concatenate3A_65 = tpu.concatenate %mul3A_50, %broadcast_in_dim3A_7, %neg3A_64 in 1 : vector<1024x16xf32>, vector<1024x1xf32>, vector<1024x1xf32> -> vector<1024x18xf32>
    %slice3A_66 = vector.extract_strided_slice %get3A_6 {offsets = [16, 0], sizes = [16, 2048], strides = [1, 1]} : vector<72x2048xf32> to vector<16x2048xf32>
    %slice3A_67 = vector.extract_strided_slice %get3A_6 {offsets = [64, 0], sizes = [1, 2048], strides = [1, 1]} : vector<72x2048xf32> to vector<1x2048xf32>
    %broadcast_in_dim3A_68 = arith.constant 1.000000e+00 : f32
    %broadcast_in_dim3A_69 = vector.broadcast %broadcast_in_dim3A_68 : f32 to vector<1x2048xf32>
    %concatenate3A_70 = tpu.concatenate %slice3A_66, %slice3A_67, %broadcast_in_dim3A_69 in 0 : vector<16x2048xf32>, vector<1x2048xf32>, vector<1x2048xf32> -> vector<18x2048xf32>
    %dot_general3A_71 = arith.constant dense<0.000000e+00> : vector<1024x2048xf32>
    %dot_general3A_72 = tpu.matmul %concatenate3A_65, %concatenate3A_70, %dot_general3A_71 {dimension_numbers = #tpu.dot_dimension_numbers<[1], [0], [0], [1], [0, 0, 1, 1], [], []>, transpose_lhs_hint = false} : vector<1024x18xf32>, vector<18x2048xf32>, vector<1024x2048xf32> -> vector<1024x2048xf32>
    %exp3A_73 = math.exp %dot_general3A_72 : vector<1024x2048xf32>
    %get3A_74 = arith.constant 0 : index
    %get3A_75 = arith.constant 1 : index
    %get3A_76 = vector.load %arg14[%get3A_74, %get3A_75] : memref<1024x4xf32, #tpu.memory_space<vmem>>, vector<1024x1xf32>
    %reduce_sum3A_77 = arith.constant dense<0.000000e+00> : vector<1024xf32>
    %reduce_sum3A_78 = vector.multi_reduction <add>, %exp3A_73, %reduce_sum3A_77 [1] : vector<1024x2048xf32> to vector<1024xf32>
    %broadcast_in_dim3A_79 = vector.shape_cast %reduce_sum3A_78 : vector<1024xf32> to vector<1024x1xf32>
    %add3A_80 = arith.addf %get3A_76, %broadcast_in_dim3A_79 : vector<1024x1xf32>
    %swap3A_81 = arith.constant 0 : index
    %swap3A_82 = arith.constant 1 : index
    %swap3A_83 = vector.load %arg14[%swap3A_81, %swap3A_82] : memref<1024x4xf32, #tpu.memory_space<vmem>>, vector<1024x1xf32>
    tpu.vector_store %arg14[%swap3A_81, %swap3A_82], %add3A_80 {strides = array<i32>} : memref<1024x4xf32, #tpu.memory_space<vmem>>, vector<1024x1xf32>,
    %get3A_84 = arith.constant 0 : index
    %get3A_85 = arith.constant 16 : index
    %get3A_86 = vector.load %arg13[%get3A_84, %get3A_85] : memref<1024x64xf32, #tpu.memory_space<vmem>>, vector<1024x16xf32>
    %get3A_87 = arith.constant 0 : index
    %get3A_88 = arith.constant 16 : index
    %get3A_89 = vector.load %arg4[%get3A_87, %get3A_88] : memref<2048x64xf32, #tpu.memory_space<vmem>>, vector<2048x16xf32>
    %dot_general3A_90 = arith.constant dense<0.000000e+00> : vector<1024x16xf32>
    %dot_general3A_91 = tpu.matmul %exp3A_73, %get3A_89, %dot_general3A_90 {dimension_numbers = #tpu.dot_dimension_numbers<[1], [0], [0], [1], [0, 0, 1, 1], [], []>, transpose_lhs_hint = false} : vector<1024x2048xf32>, vector<2048x16xf32>, vector<1024x16xf32> -> vector<1024x16xf32>
    %add3A_92 = arith.addf %get3A_86, %dot_general3A_91 : vector<1024x16xf32>
    %swap3A_93 = arith.constant 0 : index
    %swap3A_94 = arith.constant 16 : index
    %swap3A_95 = vector.load %arg13[%swap3A_93, %swap3A_94] : memref<1024x64xf32, #tpu.memory_space<vmem>>, vector<1024x16xf32>
    tpu.vector_store %arg13[%swap3A_93, %swap3A_94], %add3A_92 {strides = array<i32>} : memref<1024x64xf32, #tpu.memory_space<vmem>>, vector<1024x16xf32>,
    %slice3A_96 = vector.extract_strided_slice %get3A_3 {offsets = [0, 32], sizes = [1024, 16], strides = [1, 1]} : vector<1024x64xf32> to vector<1024x16xf32>
    %mul3A_97 = arith.constant 2.500000e-01 : f32
    %mul3A_98 = vector.broadcast %mul3A_97 : f32 to vector<1024x16xf32>
    %mul3A_99 = arith.mulf %slice3A_96, %mul3A_98 : vector<1024x16xf32>
    %mul3A_100 = arith.mulf %mul3A_99, %mul3A_99 : vector<1024x16xf32>
    %reduce_sum3A_101 = arith.constant dense<0.000000e+00> : vector<1024xf32>
    %reduce_sum3A_102 = vector.multi_reduction <add>, %mul3A_100, %reduce_sum3A_101 [1] : vector<1024x16xf32> to vector<1024xf32>
    %broadcast_in_dim3A_103 = vector.shape_cast %reduce_sum3A_102 : vector<1024xf32> to vector<1024x1xf32>
    %sqrt3A_104 = math.sqrt %broadcast_in_dim3A_103 : vector<1024x1xf32>
    %get3A_105 = arith.constant 0 : index
    %get3A_106 = arith.constant 2 : index
    %get3A_107 = vector.load %arg5[%get3A_105, %get3A_106] : memref<1x4xf32, #tpu.memory_space<vmem>>, vector<1x1xf32>
    %get3A_108 = vector.extract %get3A_107[0, 0] : f32 from vector<1x1xf32>
    %mul3A_109 = vector.broadcast %get3A_108 : f32 to vector<1024x1xf32>
    %mul3A_110 = arith.mulf %sqrt3A_104, %mul3A_109 : vector<1024x1xf32>
    %neg3A_111 = arith.constant 0.000000e+00 : f32
    %neg3A_112 = vector.broadcast %neg3A_111 : f32 to vector<1024x1xf32>
    %neg3A_113 = arith.subf %neg3A_112, %mul3A_110 : vector<1024x1xf32>
    %concatenate3A_114 = tpu.concatenate %mul3A_99, %broadcast_in_dim3A_7, %neg3A_113 in 1 : vector<1024x16xf32>, vector<1024x1xf32>, vector<1024x1xf32> -> vector<1024x18xf32>
    %slice3A_115 = vector.extract_strided_slice %get3A_6 {offsets = [32, 0], sizes = [16, 2048], strides = [1, 1]} : vector<72x2048xf32> to vector<16x2048xf32>
    %slice3A_116 = vector.extract_strided_slice %get3A_6 {offsets = [64, 0], sizes = [1, 2048], strides = [1, 1]} : vector<72x2048xf32> to vector<1x2048xf32>
    %broadcast_in_dim3A_117 = arith.constant 1.000000e+00 : f32
    %broadcast_in_dim3A_118 = vector.broadcast %broadcast_in_dim3A_117 : f32 to vector<1x2048xf32>
    %concatenate3A_119 = tpu.concatenate %slice3A_115, %slice3A_116, %broadcast_in_dim3A_118 in 0 : vector<16x2048xf32>, vector<1x2048xf32>, vector<1x2048xf32> -> vector<18x2048xf32>
    %dot_general3A_120 = arith.constant dense<0.000000e+00> : vector<1024x2048xf32>
    %dot_general3A_121 = tpu.matmul %concatenate3A_114, %concatenate3A_119, %dot_general3A_120 {dimension_numbers = #tpu.dot_dimension_numbers<[1], [0], [0], [1], [0, 0, 1, 1], [], []>, transpose_lhs_hint = false} : vector<1024x18xf32>, vector<18x2048xf32>, vector<1024x2048xf32> -> vector<1024x2048xf32>
    %exp3A_122 = math.exp %dot_general3A_121 : vector<1024x2048xf32>
    %get3A_123 = arith.constant 0 : index
    %get3A_124 = arith.constant 2 : index
    %get3A_125 = vector.load %arg14[%get3A_123, %get3A_124] : memref<1024x4xf32, #tpu.memory_space<vmem>>, vector<1024x1xf32>
    %reduce_sum3A_126 = arith.constant dense<0.000000e+00> : vector<1024xf32>
    %reduce_sum3A_127 = vector.multi_reduction <add>, %exp3A_122, %reduce_sum3A_126 [1] : vector<1024x2048xf32> to vector<1024xf32>
    %broadcast_in_dim3A_128 = vector.shape_cast %reduce_sum3A_127 : vector<1024xf32> to vector<1024x1xf32>
    %add3A_129 = arith.addf %get3A_125, %broadcast_in_dim3A_128 : vector<1024x1xf32>
    %swap3A_130 = arith.constant 0 : index
    %swap3A_131 = arith.constant 2 : index
    %swap3A_132 = vector.load %arg14[%swap3A_130, %swap3A_131] : memref<1024x4xf32, #tpu.memory_space<vmem>>, vector<1024x1xf32>
    tpu.vector_store %arg14[%swap3A_130, %swap3A_131], %add3A_129 {strides = array<i32>} : memref<1024x4xf32, #tpu.memory_space<vmem>>, vector<1024x1xf32>,
    %get3A_133 = arith.constant 0 : index
    %get3A_134 = arith.constant 32 : index
    %get3A_135 = vector.load %arg13[%get3A_133, %get3A_134] : memref<1024x64xf32, #tpu.memory_space<vmem>>, vector<1024x16xf32>
    %get3A_136 = arith.constant 0 : index
    %get3A_137 = arith.constant 32 : index
    %get3A_138 = vector.load %arg4[%get3A_136, %get3A_137] : memref<2048x64xf32, #tpu.memory_space<vmem>>, vector<2048x16xf32>
    %dot_general3A_139 = arith.constant dense<0.000000e+00> : vector<1024x16xf32>
    %dot_general3A_140 = tpu.matmul %exp3A_122, %get3A_138, %dot_general3A_139 {dimension_numbers = #tpu.dot_dimension_numbers<[1], [0], [0], [1], [0, 0, 1, 1], [], []>, transpose_lhs_hint = false} : vector<1024x2048xf32>, vector<2048x16xf32>, vector<1024x16xf32> -> vector<1024x16xf32>
    %add3A_141 = arith.addf %get3A_135, %dot_general3A_140 : vector<1024x16xf32>
    %swap3A_142 = arith.constant 0 : index
    %swap3A_143 = arith.constant 32 : index
    %swap3A_144 = vector.load %arg13[%swap3A_142, %swap3A_143] : memref<1024x64xf32, #tpu.memory_space<vmem>>, vector<1024x16xf32>
    tpu.vector_store %arg13[%swap3A_142, %swap3A_143], %add3A_141 {strides = array<i32>} : memref<1024x64xf32, #tpu.memory_space<vmem>>, vector<1024x16xf32>,
    %slice3A_145 = vector.extract_strided_slice %get3A_3 {offsets = [0, 48], sizes = [1024, 16], strides = [1, 1]} : vector<1024x64xf32> to vector<1024x16xf32>
    %mul3A_146 = arith.constant 2.500000e-01 : f32
    %mul3A_147 = vector.broadcast %mul3A_146 : f32 to vector<1024x16xf32>
    %mul3A_148 = arith.mulf %slice3A_145, %mul3A_147 : vector<1024x16xf32>
    %mul3A_149 = arith.mulf %mul3A_148, %mul3A_148 : vector<1024x16xf32>
    %reduce_sum3A_150 = arith.constant dense<0.000000e+00> : vector<1024xf32>
    %reduce_sum3A_151 = vector.multi_reduction <add>, %mul3A_149, %reduce_sum3A_150 [1] : vector<1024x16xf32> to vector<1024xf32>
    %broadcast_in_dim3A_152 = vector.shape_cast %reduce_sum3A_151 : vector<1024xf32> to vector<1024x1xf32>
    %sqrt3A_153 = math.sqrt %broadcast_in_dim3A_152 : vector<1024x1xf32>
    %get3A_154 = arith.constant 0 : index
    %get3A_155 = arith.constant 3 : index
    %get3A_156 = vector.load %arg5[%get3A_154, %get3A_155] : memref<1x4xf32, #tpu.memory_space<vmem>>, vector<1x1xf32>
    %get3A_157 = vector.extract %get3A_156[0, 0] : f32 from vector<1x1xf32>
    %mul3A_158 = vector.broadcast %get3A_157 : f32 to vector<1024x1xf32>
    %mul3A_159 = arith.mulf %sqrt3A_153, %mul3A_158 : vector<1024x1xf32>
    %neg3A_160 = arith.constant 0.000000e+00 : f32
    %neg3A_161 = vector.broadcast %neg3A_160 : f32 to vector<1024x1xf32>
    %neg3A_162 = arith.subf %neg3A_161, %mul3A_159 : vector<1024x1xf32>
    %concatenate3A_163 = tpu.concatenate %mul3A_148, %broadcast_in_dim3A_7, %neg3A_162 in 1 : vector<1024x16xf32>, vector<1024x1xf32>, vector<1024x1xf32> -> vector<1024x18xf32>
    %slice3A_164 = vector.extract_strided_slice %get3A_6 {offsets = [48, 0], sizes = [16, 2048], strides = [1, 1]} : vector<72x2048xf32> to vector<16x2048xf32>
    %slice3A_165 = vector.extract_strided_slice %get3A_6 {offsets = [64, 0], sizes = [1, 2048], strides = [1, 1]} : vector<72x2048xf32> to vector<1x2048xf32>
    %broadcast_in_dim3A_166 = arith.constant 1.000000e+00 : f32
    %broadcast_in_dim3A_167 = vector.broadcast %broadcast_in_dim3A_166 : f32 to vector<1x2048xf32>
    %concatenate3A_168 = tpu.concatenate %slice3A_164, %slice3A_165, %broadcast_in_dim3A_167 in 0 : vector<16x2048xf32>, vector<1x2048xf32>, vector<1x2048xf32> -> vector<18x2048xf32>
    %dot_general3A_169 = arith.constant dense<0.000000e+00> : vector<1024x2048xf32>
    %dot_general3A_170 = tpu.matmul %concatenate3A_163, %concatenate3A_168, %dot_general3A_169 {dimension_numbers = #tpu.dot_dimension_numbers<[1], [0], [0], [1], [0, 0, 1, 1], [], []>, transpose_lhs_hint = false} : vector<1024x18xf32>, vector<18x2048xf32>, vector<1024x2048xf32> -> vector<1024x2048xf32>
    %exp3A_171 = math.exp %dot_general3A_170 : vector<1024x2048xf32>
    %get3A_172 = arith.constant 0 : index
    %get3A_173 = arith.constant 3 : index
    %get3A_174 = vector.load %arg14[%get3A_172, %get3A_173] : memref<1024x4xf32, #tpu.memory_space<vmem>>, vector<1024x1xf32>
    %reduce_sum3A_175 = arith.constant dense<0.000000e+00> : vector<1024xf32>
    %reduce_sum3A_176 = vector.multi_reduction <add>, %exp3A_171, %reduce_sum3A_175 [1] : vector<1024x2048xf32> to vector<1024xf32>
    %broadcast_in_dim3A_177 = vector.shape_cast %reduce_sum3A_176 : vector<1024xf32> to vector<1024x1xf32>
    %add3A_178 = arith.addf %get3A_174, %broadcast_in_dim3A_177 : vector<1024x1xf32>
    %swap3A_179 = arith.constant 0 : index
    %swap3A_180 = arith.constant 3 : index
    %swap3A_181 = vector.load %arg14[%swap3A_179, %swap3A_180] : memref<1024x4xf32, #tpu.memory_space<vmem>>, vector<1024x1xf32>
    tpu.vector_store %arg14[%swap3A_179, %swap3A_180], %add3A_178 {strides = array<i32>} : memref<1024x4xf32, #tpu.memory_space<vmem>>, vector<1024x1xf32>,
    %get3A_182 = arith.constant 0 : index
    %get3A_183 = arith.constant 48 : index
    %get3A_184 = vector.load %arg13[%get3A_182, %get3A_183] : memref<1024x64xf32, #tpu.memory_space<vmem>>, vector<1024x16xf32>
    %get3A_185 = arith.constant 0 : index
    %get3A_186 = arith.constant 48 : index
    %get3A_187 = vector.load %arg4[%get3A_185, %get3A_186] : memref<2048x64xf32, #tpu.memory_space<vmem>>, vector<2048x16xf32>
    %dot_general3A_188 = arith.constant dense<0.000000e+00> : vector<1024x16xf32>
    %dot_general3A_189 = tpu.matmul %exp3A_171, %get3A_187, %dot_general3A_188 {dimension_numbers = #tpu.dot_dimension_numbers<[1], [0], [0], [1], [0, 0, 1, 1], [], []>, transpose_lhs_hint = false} : vector<1024x2048xf32>, vector<2048x16xf32>, vector<1024x16xf32> -> vector<1024x16xf32>
    %add3A_190 = arith.addf %get3A_184, %dot_general3A_189 : vector<1024x16xf32>
    %swap3A_191 = arith.constant 0 : index
    %swap3A_192 = arith.constant 48 : index
    %swap3A_193 = vector.load %arg13[%swap3A_191, %swap3A_192] : memref<1024x64xf32, #tpu.memory_space<vmem>>, vector<1024x16xf32>
    tpu.vector_store %arg13[%swap3A_191, %swap3A_192], %add3A_190 {strides = array<i32>} : memref<1024x64xf32, #tpu.memory_space<vmem>>, vector<1024x16xf32>,
    %eq3A_194 = arith.constant 4 : i32
    %eq3A_195 = arith.cmpi eq, %arg1, %eq3A_194 : i32
    %convert_element_type3A_196 = arith.extui %eq3A_195 : i1 to i32
    %cond3A_197 = arith.constant 0 : i32
    %cond3A_198 = arith.cmpi ne, %convert_element_type3A_196, %cond3A_197 : i32
    scf.if %cond3A_198 {
      %get3A_199 = arith.constant 0 : index
      %get3A_200 = arith.constant 0 : index
      %get3A_201 = vector.load %arg13[%get3A_199, %get3A_200] : memref<1024x64xf32, #tpu.memory_space<vmem>>, vector<1024x64xf32>
      %slice3A_202 = vector.extract_strided_slice %get3A_201 {offsets = [0, 0], sizes = [1024, 16], strides = [1, 1]} : vector<1024x64xf32> to vector<1024x16xf32>
      %get3A_203 = arith.constant 0 : index
      %get3A_204 = arith.constant 0 : index
      %get3A_205 = vector.load %arg14[%get3A_203, %get3A_204] : memref<1024x4xf32, #tpu.memory_space<vmem>>, vector<1024x1xf32>
      %max3A = arith.constant 1.000000e-35 : f32
      %max3A_206 = vector.broadcast %max3A : f32 to vector<1024x1xf32>
      %max3A_207 = arith.maximumf %get3A_205, %max3A_206 : vector<1024x1xf32>
      %div3A = vector.broadcast %max3A_207 : vector<1024x1xf32> to vector<1024x16xf32>
      %div3A_208 = arith.divf %slice3A_202, %div3A : vector<1024x16xf32>
      %slice3A_209 = vector.extract_strided_slice %get3A_201 {offsets = [0, 16], sizes = [1024, 16], strides = [1, 1]} : vector<1024x64xf32> to vector<1024x16xf32>
      %get3A_210 = arith.constant 0 : index
      %get3A_211 = arith.constant 1 : index
      %get3A_212 = vector.load %arg14[%get3A_210, %get3A_211] : memref<1024x4xf32, #tpu.memory_space<vmem>>, vector<1024x1xf32>
      %max3A_213 = arith.constant 1.000000e-35 : f32
      %max3A_214 = vector.broadcast %max3A_213 : f32 to vector<1024x1xf32>
      %max3A_215 = arith.maximumf %get3A_212, %max3A_214 : vector<1024x1xf32>
      %div3A_216 = vector.broadcast %max3A_215 : vector<1024x1xf32> to vector<1024x16xf32>
      %div3A_217 = arith.divf %slice3A_209, %div3A_216 : vector<1024x16xf32>
      %slice3A_218 = vector.extract_strided_slice %get3A_201 {offsets = [0, 32], sizes = [1024, 16], strides = [1, 1]} : vector<1024x64xf32> to vector<1024x16xf32>
      %get3A_219 = arith.constant 0 : index
      %get3A_220 = arith.constant 2 : index
      %get3A_221 = vector.load %arg14[%get3A_219, %get3A_220] : memref<1024x4xf32, #tpu.memory_space<vmem>>, vector<1024x1xf32>
      %max3A_222 = arith.constant 1.000000e-35 : f32
      %max3A_223 = vector.broadcast %max3A_222 : f32 to vector<1024x1xf32>
      %max3A_224 = arith.maximumf %get3A_221, %max3A_223 : vector<1024x1xf32>
      %div3A_225 = vector.broadcast %max3A_224 : vector<1024x1xf32> to vector<1024x16xf32>
      %div3A_226 = arith.divf %slice3A_218, %div3A_225 : vector<1024x16xf32>
      %slice3A_227 = vector.extract_strided_slice %get3A_201 {offsets = [0, 48], sizes = [1024, 16], strides = [1, 1]} : vector<1024x64xf32> to vector<1024x16xf32>
      %get3A_228 = arith.constant 0 : index
      %get3A_229 = arith.constant 3 : index
      %get3A_230 = vector.load %arg14[%get3A_228, %get3A_229] : memref<1024x4xf32, #tpu.memory_space<vmem>>, vector<1024x1xf32>
      %max3A_231 = arith.constant 1.000000e-35 : f32
      %max3A_232 = vector.broadcast %max3A_231 : f32 to vector<1024x1xf32>
      %max3A_233 = arith.maximumf %get3A_230, %max3A_232 : vector<1024x1xf32>
      %div3A_234 = vector.broadcast %max3A_233 : vector<1024x1xf32> to vector<1024x16xf32>
      %div3A_235 = arith.divf %slice3A_227, %div3A_234 : vector<1024x16xf32>
      %concatenate3A_236 = tpu.concatenate %div3A_208, %div3A_217, %div3A_226, %div3A_235 in 1 : vector<1024x16xf32>, vector<1024x16xf32>, vector<1024x16xf32>, vector<1024x16xf32> -> vector<1024x64xf32>
      %get3A_237 = arith.constant 0 : index
      %get3A_238 = arith.constant 0 : index
      %get3A_239 = vector.load %arg6[%get3A_237, %get3A_238] : memref<64x64xf32, #tpu.memory_space<vmem>>, vector<64x64xf32>
      %dot_general3A_240 = arith.constant dense<0.000000e+00> : vector<1024x64xf32>
      %dot_general3A_241 = tpu.matmul %concatenate3A_236, %get3A_239, %dot_general3A_240 {dimension_numbers = #tpu.dot_dimension_numbers<[1], [0], [0], [1], [0, 0, 1, 1], [], []>, precision = #tpu.contract_precision<fp32>, transpose_lhs_hint = false} : vector<1024x64xf32>, vector<64x64xf32>, vector<1024x64xf32> -> vector<1024x64xf32>
      %get3A_242 = arith.constant 0 : index
      %get3A_243 = arith.constant 0 : index
      %get3A_244 = vector.load %arg7[%get3A_242, %get3A_243] : memref<1x64xf32, #tpu.memory_space<vmem>>, vector<1x64xf32>
      %add3A_245 = vector.broadcast %get3A_244 : vector<1x64xf32> to vector<1024x64xf32>
      %add3A_246 = arith.addf %dot_general3A_241, %add3A_245 : vector<1024x64xf32>
      %get3A_247 = arith.constant 0 : index
      %get3A_248 = arith.constant 0 : index
      %get3A_249 = vector.load %arg8[%get3A_247, %get3A_248] : memref<64x64xf32, #tpu.memory_space<vmem>>, vector<64x64xf32>
      %dot_general3A_250 = arith.constant dense<0.000000e+00> : vector<1024x64xf32>
      %dot_general3A_251 = tpu.matmul %add3A_246, %get3A_249, %dot_general3A_250 {dimension_numbers = #tpu.dot_dimension_numbers<[1], [0], [0], [1], [0, 0, 1, 1], [], []>, precision = #tpu.contract_precision<fp32>, transpose_lhs_hint = false} : vector<1024x64xf32>, vector<64x64xf32>, vector<1024x64xf32> -> vector<1024x64xf32>
      %get3A_252 = arith.constant 0 : index
      %get3A_253 = arith.constant 0 : index
      %get3A_254 = vector.load %arg9[%get3A_252, %get3A_253] : memref<1x64xf32, #tpu.memory_space<vmem>>, vector<1x64xf32>
      %add3A_255 = vector.broadcast %get3A_254 : vector<1x64xf32> to vector<1024x64xf32>
      %add3A_256 = arith.addf %dot_general3A_251, %add3A_255 : vector<1024x64xf32>
      %max3A_257 = arith.constant 0.000000e+00 : f32
      %max3A_258 = vector.broadcast %max3A_257 : f32 to vector<1024x64xf32>
      %max3A_259 = arith.maximumf %add3A_256, %max3A_258 : vector<1024x64xf32>
      %get3A_260 = arith.constant 0 : index
      %get3A_261 = arith.constant 0 : index
      %get3A_262 = vector.load %arg10[%get3A_260, %get3A_261] : memref<64x2xf32, #tpu.memory_space<vmem>>, vector<64x2xf32>
      %dot_general3A_263 = arith.constant dense<0.000000e+00> : vector<1024x2xf32>
      %dot_general3A_264 = tpu.matmul %max3A_259, %get3A_262, %dot_general3A_263 {dimension_numbers = #tpu.dot_dimension_numbers<[1], [0], [0], [1], [0, 0, 1, 1], [], []>, precision = #tpu.contract_precision<fp32>, transpose_lhs_hint = false} : vector<1024x64xf32>, vector<64x2xf32>, vector<1024x2xf32> -> vector<1024x2xf32>
      %get3A_265 = arith.constant 0 : index
      %get3A_266 = arith.constant 0 : index
      %get3A_267 = vector.load %arg11[%get3A_265, %get3A_266] : memref<1x2xf32, #tpu.memory_space<vmem>>, vector<1x2xf32>
      %add3A_268 = vector.broadcast %get3A_267 : vector<1x2xf32> to vector<1024x2xf32>
      %add3A_269 = arith.addf %dot_general3A_264, %add3A_268 : vector<1024x2xf32>
      %max3A_270 = arith.constant 0.000000e+00 : f32
      %max3A_271 = vector.broadcast %max3A_270 : f32 to vector<1024x2xf32>
      %max3A_272 = arith.maximumf %add3A_269, %max3A_271 : vector<1024x2xf32>
      %abs3A = math.absf %add3A_269 : vector<1024x2xf32>
      %neg3A_273 = arith.constant 0.000000e+00 : f32
      %neg3A_274 = vector.broadcast %neg3A_273 : f32 to vector<1024x2xf32>
      %neg3A_275 = arith.subf %neg3A_274, %abs3A : vector<1024x2xf32>
      %exp3A_276 = math.exp %neg3A_275 : vector<1024x2xf32>
      %add3A_277 = arith.constant 1.000000e+00 : f32
      %add3A_278 = vector.broadcast %add3A_277 : f32 to vector<1024x2xf32>
      %add3A_279 = arith.addf %add3A_278, %exp3A_276 : vector<1024x2xf32>
      %log3A = math.log %add3A_279 : vector<1024x2xf32>
      %add3A_280 = arith.addf %max3A_272, %log3A : vector<1024x2xf32>
      %swap3A_281 = arith.constant 0 : index
      %swap3A_282 = arith.constant 0 : index
      %swap3A_283 = vector.load %arg12[%swap3A_281, %swap3A_282] : memref<1024x2xf32, #tpu.memory_space<vmem>>, vector<1024x2xf32>
      tpu.vector_store %arg12[%swap3A_281, %swap3A_282], %add3A_280 {strides = array<i32>} : memref<1024x2xf32, #tpu.memory_space<vmem>>, vector<1024x2xf32>,
    } else {
    }
    return
  }
  func.func @transform_0(%arg0: i32, %arg1: i32) -> (i32, i32) {
    %c0_i32 = arith.constant 0 : i32
    %c0_i32_0 = arith.constant 0 : i32
    return %arg0, %c0_i32 : i32, i32
  }
  func.func @transform_1(%arg0: i32, %arg1: i32) -> (i32, i32) {
    %c0_i32 = arith.constant 0 : i32
    %c0_i32_0 = arith.constant 0 : i32
    return %c0_i32, %arg1 : i32, i32
  }
  func.func @transform_2(%arg0: i32, %arg1: i32) -> (i32, i32) {
    %c0_i32 = arith.constant 0 : i32
    %c0_i32_0 = arith.constant 0 : i32
    return %arg1, %c0_i32 : i32, i32
  }
  func.func @transform_3(%arg0: i32, %arg1: i32) -> (i32, i32) {
    %c0_i32 = arith.constant 0 : i32
    %c0_i32_0 = arith.constant 0 : i32
    %c0_i32_1 = arith.constant 0 : i32
    return %c0_i32, %c0_i32_0 : i32, i32
  }
  func.func @transform_4(%arg0: i32, %arg1: i32) -> (i32, i32) {
    %c0_i32 = arith.constant 0 : i32
    %c0_i32_0 = arith.constant 0 : i32
    %c0_i32_1 = arith.constant 0 : i32
    return %c0_i32, %c0_i32_0 : i32, i32
  }
  func.func @transform_5(%arg0: i32, %arg1: i32) -> (i32, i32) {
    %c0_i32 = arith.constant 0 : i32
    %c0_i32_0 = arith.constant 0 : i32
    %c0_i32_1 = arith.constant 0 : i32
    return %c0_i32, %c0_i32_0 : i32, i32
  }
  func.func @transform_6(%arg0: i32, %arg1: i32) -> (i32, i32) {
    %c0_i32 = arith.constant 0 : i32
    %c0_i32_0 = arith.constant 0 : i32
    %c0_i32_1 = arith.constant 0 : i32
    return %c0_i32, %c0_i32_0 : i32, i32
  }
  func.func @transform_7(%arg0: i32, %arg1: i32) -> (i32, i32) {
    %c0_i32 = arith.constant 0 : i32
    %c0_i32_0 = arith.constant 0 : i32
    %c0_i32_1 = arith.constant 0 : i32
    return %c0_i32, %c0_i32_0 : i32, i32
  }
  func.func @transform_8(%arg0: i32, %arg1: i32) -> (i32, i32) {
    %c0_i32 = arith.constant 0 : i32
    %c0_i32_0 = arith.constant 0 : i32
    %c0_i32_1 = arith.constant 0 : i32
    return %c0_i32, %c0_i32_0 : i32, i32
  }
  func.func @transform_9(%arg0: i32, %arg1: i32) -> (i32, i32) {
    %c0_i32 = arith.constant 0 : i32
    %c0_i32_0 = arith.constant 0 : i32
    %c0_i32_1 = arith.constant 0 : i32
    return %c0_i32, %c0_i32_0 : i32, i32
  }
  func.func @transform_10(%arg0: i32, %arg1: i32) -> (i32, i32) {
    %c0_i32 = arith.constant 0 : i32
    %c0_i32_0 = arith.constant 0 : i32
    return %arg0, %c0_i32 : i32, i32
  }
}

</mosaic_0001>

<sc_bundles>
// kernel: kernel.5.cloned.1.call-start
scs
__scs_entry_jumppad:
0x0: {  	(pc) =	sbr.rel $0x88, $3  }
0x1: {  	(tag) =	ssettag $0x0;
	lr =	simm.s32 $0x1  }
0x2: {  	[smem:$0x3F8E] =	sst lr;
	_ =	strace $0xD0000000  }
0x3: {  	_ = 	snop  }
0x4: {  	_ = 	snop  }
0x5: {  	_ = 	snop  }
0x6: {  	_ = 	snop  }
0x7: {  	_ = 	snop  }
__scs_overlays_trampoline_lowered:
0x8: {  	[smem:$0x3F9D] =	sst s0  }
0x9: {  	[smem:$0x3F9E] =	sst s1  }
0xa: {  	[smem:$0x3F9F] =	sst s2  }
0xb: {  	[smem:$0x3FA0] =	sst s3  }
0xc: {  	[smem:$0x3FA1] =	sst s4  }
0xd: {  	[smem:$0x3FA2] =	sst s5  }
0xe: {  	[smem:$0x3FA3] =	sst s6  }
0xf: {  	[smem:$0x3FA4] =	sst s7  }
0x10: {  	[smem:$0x3FA5] =	sst s8  }
0x11: {  	[smem:$0x3FA6] =	sst s9;
	s0 =	simm.s32 @!p0 $0x0  }
0x12: {  	s1 =	sld [smem:$0x3F8C];
	s0 =	simm.s32 @p0 $0x1  }
0x13: {  	[smem:$0x3FA7] =	sst s0;
	s0 =	simm.s32 @!p1 $0x0  }
0x14: {  	s2 =	sld [smem:$0x3F8B];
	s0 =	simm.s32 @p1 $0x1  }
0x15: {  	[smem:$0x3FA8] =	sst s0;
	s0 =	simm.s32 @!p2 $0x0  }
0x16: {  	s3 =	sld [smem:$0x3FDB];
	s0 =	simm.s32 @p2 $0x1  }
0x17: {  	s4 =	simm.s32 $0x1BF5;
	[smem:$0x3FAA] =	sst s0  }
0x18: {  	s0 =	sld [smem:$0x3F8D];
	_ =	swait.ge [sflag:s4], $0x0  }
0x19: {  	s7 =	sld [smem:$0x3F8E]  }
0x1a: {  	s8 =	sadd.s32 $0xFFFFE003, lr  }
0x1b: {  	s9 =	sadd.s32 $0xFFFFFEF7, lr;
	s5 =	simm.s32 $0xFFFFFFFF;
	p2 =	slt.u32 s8, $0xFFFFF086  }
0x1c: {  	p1 =	slt.u32 s9, $0xF7A;
	s5 =	simm.s32 @!p2 $0x0  }
0x1d: {  	s5 =	simm.s32 @p1 $0x1;
	p0 =	seq.s32 s7, s2  }
0x1e: {  	s7 =	smul.u32 @!p0 $0xF7A, s2;
	p2 =	seq.s32 @!p0 s5, $0x0  }
0x1f: {  	s9 =	smul.u32 $0xF7A, s1;
	s8 =	simm.s32 @!p0 $0x1BF5;
	p2 =	por !p2, p0  }
0x20: {  	[sflag:s8] =	ssyncset.s32 @!p0 $0xFFFFF086;
	s6 =	sadd.s32 @!p0 s3, s7;
	s7 =	simm.s32 @!p0 $0x108  }
0x21: {  	s3 =	sadd.s32 s3, s9;
	s6 =	sadd.s32 @!p0 $0x88, s6;
	s7 =	simm.s32 @p2 $0x1082  }
0x22: {  	[simem:s7], [sflag:s8] =	dma.local @!p0 [hbm:s6], $0xF7A  }
0x23: {  	s9 =	sor.u32 $0xD0000000, s2;
	s6 =	simm.s32 $0x108;
	_ =	swait.ge @!p0 [sflag:s8], $0x0  }
0x24: {  	s3 =	sadd.s32 $0x88, s3;
	s6 =	simm.s32 @!p1 $0x1082;
	[sflag:s4] =	ssyncset.s32 $0xFFFFF086  }
0x25: {  	[simem:s6], [sflag:s4] =	dma.local [hbm:s3], $0xF7A  }
0x26: {  	[smem:$0x3F8E] =	sst s1;
	(tag) =	ssettag s2;
	_ =	strace s9  }
0x27: {  	s1 =	sld [smem:$0x3F9E]  }
0x28: {  	s2 =	sld [smem:$0x3F9F]  }
0x29: {  	s4 =	sld [smem:$0x3FA1]  }
0x2a: {  	p0 =	seq.s32 s5, $0x0;
	s5 =	sld [smem:$0x3FA2]  }
0x2b: {  	s6 =	sld [smem:$0x3FA3]  }
0x2c: {  	s7 =	sld [smem:$0x3FA4]  }
0x2d: {  	s3 =	simm.s32 $0x108;
	s8 =	sld [smem:$0x3FA5]  }
0x2e: {  	s3 =	simm.s32 @!p0 $0x1082;
	s9 =	sld [smem:$0x3FA6]  }
0x2f: {  	lr =	sadd.s32 s0, s3;
	s0 =	sld [smem:$0x3F9D]  }
0x30: {  	s3 =	sld [smem:$0x3FA0]  }
0x31: {  	[smem:$0x3FA9] =	sst s10  }
0x32: {  	s10 =	sld [smem:$0x3FA7];
	_ =	sdelay $0x3  }
0x33: {  	p0 =	seq.s32 s10, $0x1;
	s10 =	sld [smem:$0x3FA9];
	_ =	sdelay $0x3  }
0x34: {  	[smem:$0x3FA9] =	sst s10  }
0x35: {  	s10 =	sld [smem:$0x3FA8];
	_ =	sdelay $0x3  }
0x36: {  	p1 =	seq.s32 s10, $0x1;
	s10 =	sld [smem:$0x3FA9];
	_ =	sdelay $0x3  }
0x37: {  	[smem:$0x3FA9] =	sst s10  }
0x38: {  	s10 =	sld [smem:$0x3FAA]  }
0x39: {  	_ = 	snop;
	(pc) =	sbr.ind lr, $3  }
0x3a: {  	_ = 	snop  }
0x3b: {  	_ = 	snop  }
0x3c: {  	p2 =	seq.s32 s10, $0x1;
	s10 =	sld [smem:$0x3FA9]  }
0x3d: {  	_ =	shalt  }
0x3e: {  	_ =	shalt  }
0x3f: {  	_ =	shalt  }
0x40: {  	_ =	shalt  }
0x41: {  	_ =	shalt  }
0x42: {  	_ =	shalt  }
0x43: {  	_ =	shalt  }
0x44: {  	_ =	shalt  }
0x45: {  	_ =	shalt  }
0x46: {  	_ =	shalt  }
0x47: {  	_ =	shalt  }
0x48: {  	_ =	shalt  }
0x49: {  	_ =	shalt  }
0x4a: {  	_ =	shalt  }
0x4b: {  	_ =	shalt  }
0x4c: {  	_ =	shalt  }
0x4d: {  	_ =	shalt  }
0x4e: {  	_ =	shalt  }
0x4f: {  	_ =	shalt  }
0x50: {  	_ =	shalt  }
0x51: {  	_ =	shalt  }
0x52: {  	_ =	shalt  }
0x53: {  	_ =	shalt  }
0x54: {  	_ =	shalt  }
0x55: {  	_ =	shalt  }
0x56: {  	_ =	shalt  }
0x57: {  	_ =	shalt  }
0x58: {  	_ =	shalt  }
0x59: {  	_ =	shalt  }
0x5a: {  	_ =	shalt  }
0x5b: {  	_ =	shalt  }
0x5c: {  	_ =	shalt  }
0x5d: {  	_ =	shalt  }
0x5e: {  	_ =	shalt  }
0x5f: {  	_ =	shalt  }
0x60: {  	_ =	shalt  }
0x61: {  	_ =	shalt  }
0x62: {  	_ =	shalt  }
0x63: {  	_ =	shalt  }
0x64: {  	_ =	shalt  }
0x65: {  	_ =	shalt  }
0x66: {  	_ =	shalt  }
0x67: {  	_ =	shalt  }
0x68: {  	_ =	shalt  }
0x69: {  	_ =	shalt  }
0x6a: {  	_ =	shalt  }
0x6b: {  	_ =	shalt  }
0x6c: {  	_ =	shalt  }
0x6d: {  	_ =	shalt  }
0x6e: {  	_ =	shalt  }
0x6f: {  	_ =	shalt  }
0x70: {  	_ =	shalt  }
0x71: {  	_ =	shalt  }
0x72: {  	_ =	shalt  }
0x73: {  	_ =	shalt  }
0x74: {  	_ =	shalt  }
0x75: {  	_ =	shalt  }
0x76: {  	_ =	shalt  }
0x77: {  	_ =	shalt  }
0x78: {  	_ =	shalt  }
0x79: {  	_ =	shalt  }
0x7a: {  	_ =	shalt  }
0x7b: {  	_ =	shalt  }
0x7c: {  	_ =	shalt  }
0x7d: {  	_ =	shalt  }
0x7e: {  	_ =	shalt  }
0x7f: {  	_ =	shalt  }
0x80: {  	_ =	shalt  }
0x81: {  	_ =	shalt  }
0x82: {  	_ =	shalt  }
0x83: {  	_ =	shalt  }
0x84: {  	_ =	shalt  }
0x85: {  	_ =	shalt  }
0x86: {  	_ =	shalt  }
0x87: {  	_ =	shalt  }
.Lfunc_end0:
.L_simem_size_0:
called_computation_lowered:
.L_overlay_start_0:
0x88: {  	s2 =	sld [smem:$0x3FD9]  }
0x89: {  	s3 =	sld [smem:$0x3FFE];
	_ =	sdelay $0x1  }
0x8a: {  	s1 =	srdreg.scid  }
0x8b: {  	s0 =	sand.u32 $0x1, s1  }
0x8c: {  	s14 =	sshll.u32 s0, $0xA;
	s2 =	sadd.s32 s3, s2  }
0x8d: {  	s2 =	sadd.s32 s2, s14  }
0x8e: {  	[smem:$0x3FB5] =	sst s2  }
0x8f: {  	_ = 	snop  }
0x90: {  	s2 =	sld [smem:$0x3FD0]  }
0x91: {  	s15 =	sld [smem:$0x3FC9]  }
0x92: {  	s4 =	sld [smem:$0x3FC8]  }
0x93: {  	s6 =	simm.s32 $0xA;
	s7 =	simm.s32 $0x10;
	s5 =	sld [smem:$0x3FC7]  }
0x94: {  	[smem:s7], [sflag:s6] =	dma.local [hbm:s2], $0x1  }
0x95: {  	_ =	swait.eq [sflag:s6], $0x1  }
0x96: {  	[sflag:s6] =	ssyncset.done $0x0  }
0x97: {  	[sflag:s6] =	ssyncadd.s32 $0xFFFFFFFF  }
0x98: {  	s16 =	sld [smem:$0x10];
	(tm) =	ssettm $0x1  }
0x99: {  	s17 =	sld [smem:$0x3FFB];
	_ =	sdelay $0x3  }
0x9a: {  	_ =	strace s17  }
0x9b: {  	s6 =	sld [smem:$0x3FFC];
	_ =	sdelay $0x3  }
0x9c: {  	_ =	strace s6  }
0x9d: {  	s6 =	sld [smem:$0x3FFD];
	_ =	sdelay $0x3  }
0x9e: {  	_ =	strace s6  }
0x9f: {  	_ =	strace $0x8FFFFFFF  }
0xa0: {  	s18 =	sld [smem:$0x3FDB];
	_ =	sdelay $0x1  }
0xa1: {  	s19 =	simm.s32 $_scs_section_size  }
0xa2: {  	s8 =	simm.s32 $_size__tile_overlayer_lowered;
	s9 =	simm.s32 $_tile_overlayer_lowered  }
0xa3: {  	s22 =	simm.s32 $0x1BFF;
	s21 =	sshll.u32 s9, $0x1;
	s6 =	sadd.s32 s19, s18  }
0xa4: {  	s10 =	simm.s32 $0x0;
	s20 =	sshll.u32 s8, $0x1;
	s8 =	sadd.s32 s21, s6  }
0xa5: {  	[timem:s10], [sflag:s22] =	dma.local [hbm:s8], s20  }
0xa6: {  	_ =	swait.ge [sflag:s22], s20  }
0xa7: {  	s7 =	ssub.s32 $0x0, s20;
	[sflag:s22] =	ssyncset.done $0x0  }
0xa8: {  	[sflag:s22] =	ssyncadd.s32 s7;
	_ =	sdelay $0x1  }
0xa9: {  	s23 =	simm.s32 $0x1B8B  }
0xaa: {  	_ =	swait.ge [sflag:s23], $0x1  }
0xab: {  	[sflag:s23] =	ssyncset.done $0x0  }
0xac: {  	s25 =	simm.s32 $0x1B8E;
	s24 =	sld [smem:$0x3FFE];
	[sflag:s23] =	ssyncadd.s32 $0xFFFFFFFF  }
0xad: {  	s26 =	simm.s32 $execute0_lowered;
	[smem:$0x3FD2] =	sst s25  }
0xae: {  	s8 =	sshll.u32 s26, $0x1;
	_ =	strace $0x80000046;
	[dreg:$0x1] =	wrdreg $0xFFFFFFFF  }
0xaf: {  	s28 =	simm.s32 $_size_execute0_lowered;
	s6 =	sadd.s32 s6, s8;
	[dreg:$0x0] =	wrdreg $0x0  }
0xb0: {  	s8 =	sshll.u32 s28, $0x1;
	[dreg:$0x2] =	wrdreg s6  }
0xb1: {  	[dreg:$0x3] =	wrdreg s8  }
0xb2: {  	[dreg:$0x4] =	wrdreg $0xC0  }
0xb3: {  	_ =	task [dreg:s10], $0x5FFFF  }
0xb4: {  	[dreg:$0x1] =	wrdreg $0xFFFFFFFF  }
0xb5: {  	[dreg:$0x0] =	wrdreg $0x60  }
0xb6: {  	[dreg:$0x2] =	wrdreg s15  }
0xb7: {  	[dreg:$0x3] =	wrdreg s4  }
0xb8: {  	[dreg:$0x4] =	wrdreg s5  }
0xb9: {  	[dreg:$0x5] =	wrdreg s24  }
0xba: {  	[dreg:$0x6] =	wrdreg s16  }
0xbb: {  	[dreg:$0x7] =	wrdreg $0x9  }
0xbc: {  	_ =	task.clear_ibuf [dreg:s10], $0x8FFFF;
	_ =	strace $0x90000046  }
0xbd: {  	s29 =	simm.s32 $0x9;
	_ =	strace $0x80000048  }
0xbe: {  	_ =	swait.ge [sflag:s29], $0x1  }
0xbf: {  	[sflag:s29] =	ssyncadd.s32 $0xFFFFFFFF  }
0xc0: {  	_ =	strace $0x90000048  }
0xc1: {  	_ =	sfence  }
0xc2: {  	s30 =	sld [smem:$0x0];
	_ =	sdelay $0x2  }
0xc3: {  	s31 =	sshll.u32 s1, $0xD;
	s1 =	sshrl.u32 s1, $0x2  }
0xc4: {  	s3 =	sand.u32 $0x4000, s31;
	s1 =	sadd.s32 s1, s30  }
0xc5: {  	s0 =	sor.u32 s3, s0;
	s1 =	sshll.u32 s1, $0x11  }
0xc6: {  	s0 =	sor.u32 s1, s0  }
0xc7: {  	s0 =	sadd.s32 $0x8F2B, s0  }
0xc8: {  	[sflag:s0] =	ssyncadd.remote.s32 $0x1  }
0xc9: {  	_ =	sfence.sel $0xFFFF  }
0xca: {  	[dreg:$0x0] =	wrdreg $0xFFFFFFFF;
	(pc) =	sbr.abs _section_cstart, $3  }
0xcb: {  	[dreg:$0x1] =	wrdreg $0xFFFFFFFF  }
0xcc: {  	_ =	task.clear_ibuf [dreg:s10], $0x2FFFF;
	_ =	strace $0x9FFFFFFF  }
0xcd: {  	(tm) =	ssettm $0x7FFFFFFF  }
tec
execute0_lowered:
.L_overlay_start_1:
0x0: {  	(tag) =	ssettag $0x1  }
0x1: {  	s0 =	rddreg [dreg:$0x0]  }
0x2: {  	s2 =	rddreg [dreg:$0x1]  }
0x3: {  	s4 =	rddreg [dreg:$0x2]  }
0x4: {  	s1 =	rddreg [dreg:$0x3]  }
0x5: {  	s3 =	rddreg [dreg:$0x4]  }
0x6: {  	s5 =	srdreg.scid;
	s11 =	stileid.u32  }
0x7: {  	s15 =	simm.s32 $0x3;
	s20 =	simm.s32 $0x6400;
	s28 =	simm.s32 $0xF080  }
0x8: {  	s29 =	simm.s32 $0x11880;
	s30 =	simm.s32 $0x2;
	s31 =	simm.s32 $0x80  }
0x9: {  	s9 =	sand.u32 $0x1, s5;
	s6 =	sshll.u32 s11, $0x1;
	s5 =	simm.s32 $0x0  }
0xa: {  	s7 =	sshrl.u32 s11, $0x1;
	s22 =	sshrl.u32 s11, $0x2;
	s6 =	sor.u32 s9, s6  }
0xb: {  	[smem:$0x7FF] =	sst s5;
	s8 =	smul.u32 $0x14000, s7;
	s7 =	sadd.s32 $0x15600, s1  }
0xc: {  	s13 =	smul.u32 $0x14000, s22;
	s9 =	ssub.s32 $0x2, s9;
	s21 =	sshll.u32 s6, $0x8  }
0xd: {  	_ =	strace $0x80000047;
	s12 =	sshll.u32 s6, $0x7;
	s14 =	sshrl.u32 s9, $0x1  }
0xe: {  	s10 =	sand.u32 $0x300, s21;
	s12 =	sand.u32 $0x380, s12;
	s9 =	ssub.s32 s9, s14  }
0xf: {  	s14 =	simm.s32 $0xC800;
	s21 =	simm.s32 $0x7800;
	s8 =	sor.u32 s8, s10  }
0x10: {  	s13 =	sor.u32 s13, s12;
	s10 =	sshll.u32 s22, $0xA;
	s26 =	smax.u32 s9, $0x1  }
0x11: {  	s22 =	simm.s32 $0x8C00;
	s23 =	sshrl.u32 s8, $0x3;
	s10 =	sor.u32 s10, s12  }
0x12: {  	s8 =	sadd.s32 $0x1C00, s1;
	s13 =	sshrl.u32 s13, $0x3;
	s10 =	sshrl.u32 s10, $0x3  }
0x13: {  	[dreg:$0xa] =	wrdreg s26;
	s11 =	sadd.s32 s23, s1;
	s3 =	sadd.s32 s3, s10  }
.Ltmp0:
0x14: {  	s24 =	sadd.s32 $0x29000, s11;
	[dreg:$0x6] =	wrdreg s3;
	(pc) =	sbr.rel .LBB2_1-.Ltmp0, $4  }
0x15: {  	v0 =	vimm.s32 $0x1;
	s1 =	sadd.s32 s13, s1;
	s25 =	sadd.s32 $0x29010, s11;
	[dreg:$0x7] =	wrdreg s24  }
0x16: {  	v1 =	vimm.s32 $0x2;
	v2 =	vimm.s32 $0x3;
	v3 =	vimm.s32 $0x4;
	s26 =	simm.s32 $0xC880;
	s1 =	sadd.s32 $0x3D000, s1;
	[dreg:$0x8] =	wrdreg s25  }
0x17: {  	v4 =	vimm.s32 $0x5;
	v5 =	vimm.s32 $0x6;
	v6 =	vimm.s32 $0x7;
	s23 =	simm.s32 $0xA000;
	[dreg:$0x9] =	wrdreg s1;
	s24 =	simm.s32 $0xB400  }
0x18: {  	v7 =	vimm.s32 $0x8;
	v8 =	vimm.f32 $0.0e+00;
	v9 =	vimm.f32 $1.000000000e+00;
	s25 =	simm.s32 $0x1;
	s1 =	simm.s32 $0x400;
	s3 =	simm.s32 $0x0  }
.LBB2_17:
0x19: {  	s9 =	rddreg [dreg:$0x7]  }
0x1a: {  	[hbm4b:s9+s31] =	stream.strided.scatter [tilespmem:s26], [sflag:$0x3], $0x2800, s1, s31, $0x38;
	[tilespmem:$0x14080] =	vst v63  }
0x1b: {  	_ =	swait.ge [sflag:s15], $0x2800  }
0x1c: {  	[sflag:s15] =	ssyncset.done $0x0  }
0x1d: {  	s17 =	rddreg [dreg:$0x8];
	[sflag:s15] =	ssyncadd.s32 $0xFFFFD800  }
0x1e: {  	[hbm4b:s17+s31] =	stream.strided.scatter [tilespmem:s28], [sflag:$0x3], $0x2800, s1, s31, $0x38;
	[tilespmem:$0x14080] =	vst v63  }
0x1f: {  	_ =	swait.ge [sflag:s15], $0x2800  }
0x20: {  	[sflag:s15] =	ssyncset.done $0x0  }
0x21: {  	s18 =	rddreg [dreg:$0x9];
	[sflag:s15] =	ssyncadd.s32 $0xFFFFD800  }
0x22: {  	[hbm4b:s18+s31] =	stream.strided.scatter [tilespmem:s29], [sflag:$0x3], $0x2800, s1, s31, $0x38;
	[tilespmem:$0x14080] =	vst v63  }
0x23: {  	_ =	swait.ge [sflag:s15], $0x2800  }
0x24: {  	s3 =	sadd.s32 $0x1, s3;
	s19 =	rddreg [dreg:$0xa]  }
0x25: {  	p0 =	sne.s32 s3, s19  }
.Ltmp1:
0x26: {  	_ = 	snop;
	(pc) =	sbr.rel @!p0 .LBB2_18-.Ltmp1, $3  }
0x27: {  	_ =	sdelay $0x1  }
0x28: {  	[sflag:s15] =	ssyncset.done $0x0  }
0x29: {  	[sflag:s15] =	ssyncadd.s32 $0xFFFFD800  }
.LBB2_1:
0x2a: {  	s9 =	rddreg [dreg:$0x6]  }
0x2b: {  	[tilespmem:s14], [sflag:$0x3] =	stream.linear.gather [hbm4b:s9+s5], $0x80, $0x38;
	[tilespmem:$0x14080] =	vst v63  }
0x2c: {  	_ =	swait.ge [sflag:s15], $0x80  }
0x2d: {  	[sflag:s15] =	ssyncset.done $0x0  }
0x2e: {  	[sflag:s15] =	ssyncadd.s32 $0xFFFFFF80  }
0x2f: {  	v10 =	vld.idx.msk [tilespmem:v0+s14+$0x0], $0xffff  }
0x30: {  	v11 =	vld.idx.msk [tilespmem:v1+s14+$0x0], $0xffff  }
0x31: {  	v12 =	vld.idx.msk [tilespmem:v2+s14+$0x0], $0xffff  }
0x32: {  	v13 =	vld.idx.msk [tilespmem:v3+s14+$0x0], $0xffff  }
0x33: {  	v14 =	vld.idx.msk [tilespmem:v4+s14+$0x0], $0xffff  }
0x34: {  	v15 =	vld.idx.msk [tilespmem:v5+s14+$0x0], $0xffff  }
0x35: {  	v16 =	vld.idx.msk [tilespmem:v6+s14+$0x0], $0xffff  }
0x36: {  	s10 =	simm.s32 $0x0;
	s9 =	simm.s32 $0x40;
	v17 =	vld.idx.msk [tilespmem:v7+s14+$0x0], $0xffff  }
.LBB2_2:
0x37: {  	p0 =	sne.s32 s9, $0x9FC0;
	[tilespmem:s10+$0x11880] =	vst v8;
	s11 =	smov.u32 s9;
	s9 =	sadd.s32 $0x40, s9  }
.Ltmp2:
0x38: {  	[tilespmem:s10+$0xC880] =	vst v8;
	(pc) =	sbr.rel @p0 .LBB2_2-.Ltmp2, $2  }
0x39: {  	[tilespmem:s10+$0xF080] =	vst v8;
	_ =	sdelay $0x2  }
0x3a: {  	s10 =	sshra.s32 s11, $0x2  }
0x3b: {  	[tilespmem:s10+$0x11880] =	vst v8  }
0x3c: {  	[tilespmem:s10+$0xC880] =	vst v8  }
0x3d: {  	[tilespmem:s10+$0xF080] =	vst v8;
	s16 =	simm.s32 $0x0  }
0x3e: {  	[tilespmem:s16], [sflag:$0x1] =	stream.linear.gather [hbm4b:s0+s16], $0x1388, $0x38;
	[tilespmem:$0x14080] =	vst v63  }
0x3f: {  	s9 =	simm.s32 $0x1400  }
0x40: {  	[tilespmem:s9], [sflag:$0x1] =	stream.linear.gather [hbm4b:s2+s16], $0x1388, $0x38;
	[tilespmem:$0x14080] =	vst v63  }
0x41: {  	s17 =	simm.s32 $0x2800  }
0x42: {  	[tilespmem:s17], [sflag:$0x1] =	stream.linear.gather [hbm4b:s4+s16], $0x1388, $0x38;
	[tilespmem:$0x14080] =	vst v63  }
.Ltmp3:
0x43: {  	_ = 	snop;
	(pc) =	sbr.rel .LBB2_4-.Ltmp3, $4  }
0x44: {  	s18 =	simm.s32 $0x3C00  }
0x45: {  	[tilespmem:s18], [sflag:$0x1] =	stream.linear.gather [hbm4b:s7+s16], $0x1388, $0x38;
	[tilespmem:$0x14080] =	vst v63  }
0x46: {  	s19 =	simm.s32 $0x5000  }
0x47: {  	[tilespmem:s19], [sflag:$0x1] =	stream.linear.gather [hbm4b:s8+s16], $0x1388, $0x38;
	[tilespmem:$0x14080] =	vst v63  }
.LBB2_16:
0x48: {  	s16 =	sadd.s32 $0x1, s16  }
0x49: {  	p0 =	sne.s32 s16, $0x40  }
.Ltmp4:
0x4a: {  	_ = 	snop;
	(pc) =	sbr.rel @!p0 .LBB2_17-.Ltmp4, $1  }
0x4b: {  	_ =	sdelay $0x3  }
.LBB2_4:
0x4c: {  	s9 =	smul.u32 $0x4E2, s16;
	_ =	sdelay $0x1  }
0x4d: {  	s9 =	sadd.s32 $0x271, s9  }
0x4e: {  	s10 =	sadd.s32 s0, s9  }
0x4f: {  	[tilespmem:s20], [sflag:$0x2] =	stream.linear.gather [hbm4b:s10+s5], $0x1388, $0x38;
	[tilespmem:$0x14080] =	vst v63  }
0x50: {  	s12 =	sadd.s32 s2, s9  }
0x51: {  	[tilespmem:s21], [sflag:$0x2] =	stream.linear.gather [hbm4b:s12+s5], $0x1388, $0x38;
	[tilespmem:$0x14080] =	vst v63  }
0x52: {  	s13 =	sadd.s32 s4, s9  }
0x53: {  	[tilespmem:s22], [sflag:$0x2] =	stream.linear.gather [hbm4b:s13+s5], $0x1388, $0x38;
	[tilespmem:$0x14080] =	vst v63  }
0x54: {  	s17 =	sadd.s32 s7, s9  }
0x55: {  	[tilespmem:s23], [sflag:$0x2] =	stream.linear.gather [hbm4b:s17+s5], $0x1388, $0x38;
	[tilespmem:$0x14080] =	vst v63  }
0x56: {  	s9 =	sadd.s32 s8, s9  }
0x57: {  	[tilespmem:s24], [sflag:$0x2] =	stream.linear.gather [hbm4b:s9+s5], $0x1388, $0x38;
	[tilespmem:$0x14080] =	vst v63  }
0x58: {  	_ =	swait.ge [sflag:s25], $0x1388  }
0x59: {  	[sflag:s25] =	ssyncset.done $0x0  }
0x5a: {  	[sflag:s25] =	ssyncadd.s32 $0xFFFFEC78  }
0x5b: {  	_ =	swait.ge [sflag:s25], $0x1388  }
0x5c: {  	[sflag:s25] =	ssyncset.done $0x0  }
0x5d: {  	[sflag:s25] =	ssyncadd.s32 $0xFFFFEC78  }
0x5e: {  	_ =	swait.ge [sflag:s25], $0x1388  }
0x5f: {  	[sflag:s25] =	ssyncset.done $0x0  }
0x60: {  	[sflag:s25] =	ssyncadd.s32 $0xFFFFEC78  }
0x61: {  	_ =	swait.ge [sflag:s25], $0x1388  }
0x62: {  	[sflag:s25] =	ssyncset.done $0x0  }
0x63: {  	[sflag:s25] =	ssyncadd.s32 $0xFFFFEC78  }
0x64: {  	_ =	swait.ge [sflag:s25], $0x1388  }
0x65: {  	[sflag:s25] =	ssyncset.done $0x0  }
0x66: {  	s18 =	simm.s32 $0x20;
	[sflag:s25] =	ssyncadd.s32 $0xFFFFEC78  }
0x67: {  	v18 =	vld [tilespmem:s18+$0xFFFFFFE0]  }
0x68: {  	s11 =	simm.s32 $0x1420;
	v21 =	vld [tilespmem:s18+$0x10]  }
0x69: {  	s19 =	simm.s32 $0x2820;
	v22 =	vld [tilespmem:s11+$0x10]  }
0x6a: {  	v23 =	vld [tilespmem:s19+$0x10]  }
0x6b: {  	v24 =	vld [tilespmem:s18+$0xFFFFFFF0]  }
0x6c: {  	v25 =	vld [tilespmem:s11+$0x0]  }
0x6d: {  	v19 =	vld [tilespmem:s19+$0x0]  }
0x6e: {  	v27 =	vld [tilespmem:s11+$0xFFFFFFE0]  }
0x6f: {  	v20 =	vld [tilespmem:s18+$0x0];
	v28 =	vmul.f32 v21, v14;
	v29 =	vmul.f32 v22, v15  }
0x70: {  	v26 =	vld [tilespmem:s11+$0xFFFFFFF0];
	v30 =	vmul.f32 v23, v16;
	v33 =	vmul.f32 v24, v14  }
0x71: {  	v34 =	vmul.f32 v18, v14;
	v35 =	vmul.f32 v25, v15  }
0x72: {  	v31 =	vld [tilespmem:s19+$0xFFFFFFF0];
	v24 =	vmul.f32 v24, v10;
	v36 =	vmul.f32 v19, v16  }
0x73: {  	v32 =	vld [tilespmem:s19+$0xFFFFFFE0];
	v53 =	vmul.f32 v27, v15;
	v18 =	vmul.f32 v18, v10;
	v28 =	vadd.f32 v29, v28  }
0x74: {  	v25 =	vmul.f32 v25, v11;
	v29 =	vmul.f32 v20, v14  }
0x75: {  	v27 =	vmul.f32 v27, v11;
	v28 =	vadd.f32 v30, v28;
	v30 =	vmul.f32 v26, v11  }
0x76: {  	v34 =	vadd.f32 v53, v34;
	v20 =	vmul.f32 v20, v10;
	v29 =	vadd.f32 v35, v29  }
0x77: {  	v18 =	vadd.f32 v27, v18;
	v24 =	vadd.f32 v30, v24;
	v30 =	vmul.f32 v31, v12  }
0x78: {  	v54 =	vmul.f32 v32, v16;
	v20 =	vadd.f32 v25, v20;
	v29 =	vadd.f32 v36, v29  }
0x79: {  	v28 =	vadd.f32 v28, v17;
	v24 =	vadd.f32 v30, v24  }
0x7a: {  	v19 =	vmul.f32 v19, v12;
	v29 =	vadd.f32 v29, v17;
	v30 =	vadd.f32 v54, v34  }
0x7b: {  	v23 =	vmul.f32 v23, v12;
	v28 =	vadd.f32 v28, v28;
	v24 =	vadd.f32 v24, v13  }
0x7c: {  	v27 =	vmul.f32 v31, v16;
	v29 =	vadd.f32 v29, v29;
	v30 =	vadd.f32 v30, v17  }
0x7d: {  	s9 =	simm.s32 $0x1460;
	v26 =	vmul.f32 v26, v15;
	v28 =	vmul.f32 $1.442695020e+00, v28;
	v24 =	vadd.f32 v24, v24  }
0x7e: {  	s19 =	simm.s32 $0x60;
	v19 =	vadd.f32 v19, v20;
	v20 =	vld [tilespmem:s9+$0x10];
	v25 =	vmul.f32 $1.442695020e+00, v29;
	v29 =	vadd.f32 v30, v30  }
0x7f: {  	s10 =	simm.s32 $0x2860;
	(erf) = vpow2.f32 v28;
	v28 =	vld [tilespmem:s19+$0x10];
	v24 =	vmul.f32 $1.442695020e+00, v24  }
0x80: {  	v55 =	vld [tilespmem:s10+$0x0];
	v26 =	vadd.f32 v26, v33;
	(erf) = vpow2.f32 v25;
	v25 =	vmul.f32 $1.442695020e+00, v29  }
0x81: {  	v19 =	vadd.f32 v19, v13;
	v29 =	vld [tilespmem:s10+$0x10];
	(erf) = vpow2.f32 v24;
	v24 =	vmul.f32 v32, v12  }
0x82: {  	v60 =	vld [tilespmem:s9+$0x0];
	v22 =	vmul.f32 v22, v11;
	v21 =	vmul.f32 v21, v10;
	v26 =	vadd.f32 v27, v26  }
0x83: {  	v19 =	vadd.f32 v19, v19;
	(erf) = vpow2.f32 v25;
	v18 =	vadd.f32 v24, v18  }
0x84: {  	v41 =	vld [tilespmem:s10+$0xFFFFFFE0];
	v27 =	vmul.f32 v20, v15;
	v24 =	vadd.f32 v26, v17;
	v26 =	vmul.f32 v28, v14  }
0x85: {  	v37 =	vld [tilespmem:s9+$0xFFFFFFF0];
	v22 =	vadd.f32 v22, v21;
	v19 =	vmul.f32 $1.442695020e+00, v19;
	v18 =	vadd.f32 v18, v13  }
0x86: {  	v31 =	vld [tilespmem:s19+$0xFFFFFFE0];
	v21 =	vadd.f32 v24, v24;
	v24 =	vadd.f32 v27, v26;
	v26 =	vmul.f32 v29, v16  }
0x87: {  	v61 =	vmul.f32 v55, v16;
	v39 =	vmul.f32 v60, v11  }
0x88: {  	v56 =	vpop (erf);
	(erf) = vpow2.f32 v19;
	v18 =	vadd.f32 v18, v18;
	v26 =	vadd.f32 v26, v24  }
0x89: {  	v36 =	vmul.f32 v41, v12;
	v25 =	vld [tilespmem:s19+$0x0];
	v57 =	vmul.f32 $1.442695020e+00, v21  }
0x8a: {  	v34 =	vmul.f32 v37, v15;
	v58 =	vpop (erf);
	v18 =	vmul.f32 $1.442695020e+00, v18;
	v26 =	vadd.f32 v26, v17  }
0x8b: {  	v22 =	vadd.f32 v23, v22;
	v38 =	vmul.f32 v31, v10;
	v30 =	vld [tilespmem:s19+$0xFFFFFFF0];
	v23 =	vpop (erf);
	(erf) = vpow2.f32 v57  }
0x8c: {  	v20 =	vmul.f32 v20, v11;
	v59 =	vpop (erf);
	(erf) = vpow2.f32 v18;
	v18 =	vadd.f32 v26, v26  }
0x8d: {  	v27 =	vmul.f32 v31, v14;
	v26 =	vadd.f32 v22, v13;
	v31 =	vadd.f32 $1.000000000e+00, v59  }
0x8e: {  	v19 =	vmul.f32 v25, v14;
	v23 =	vadd.f32 $1.000000000e+00, v23;
	v22 =	vmul.f32 v29, v12  }
0x8f: {  	v29 =	vld [tilespmem:s9+$0xFFFFFFE0];
	(erf) = vrcp.f32 v31;
	v31 =	vmul.f32 $1.442695020e+00, v18;
	v18 =	vadd.f32 v26, v26  }
0x90: {  	v21 =	vmul.f32 v30, v14;
	v35 =	vadd.f32 $1.000000000e+00, v58;
	(erf) = vrcp.f32 v23  }
0x91: {  	v26 =	vmul.f32 v28, v10;
	v28 =	vpop (erf);
	v18 =	vmul.f32 $1.442695020e+00, v18  }
0x92: {  	v23 =	vld [tilespmem:s10+$0xFFFFFFF0];
	v33 =	vadd.f32 $1.000000000e+00, v28;
	v28 =	vmul.f32 v60, v15;
	(erf) = vrcp.f32 v35  }
0x93: {  	v24 =	vmul.f32 v55, v12;
	v32 =	vadd.f32 $1.000000000e+00, v56;
	(erf) = vpow2.f32 v18  }
0x94: {  	v40 =	vmul.f32 v25, v10;
	v19 =	vadd.f32 v28, v19;
	v28 =	vmul.f32 v29, v11  }
0x95: {  	v26 =	vadd.f32 v20, v26;
	v20 =	vmul.f32 v37, v11;
	v18 =	vmul.f32 v30, v10;
	v25 =	vpop (erf)  }
0x96: {  	s11 =	simm.s32 $0x5020;
	v37 =	vmul.f32 v29, v15;
	v30 =	vadd.f32 v39, v40;
	v62 =	vadd.f32 $1.000000000e+00, v25  }
0x97: {  	s12 =	simm.s32 $0x3C20;
	v25 =	vpop (erf);
	v18 =	vadd.f32 v20, v18;
	v63 =	vmul.f32 v23, v12;
	v42 =	vadd.f32 v61, v19;
	v19 =	vld [tilespmem:s11+$0xFFFFFFE0]  }
0x98: {  	v20 =	vld [tilespmem:s12+$0xFFFFFFE0];
	v29 =	vadd.f32 $1.000000000e+00, v25;
	v25 =	vadd.f32 v28, v38;
	(erf) = vrcp.f32 v62;
	v28 =	vpop (erf)  }
0x99: {  	s13 =	simm.s32 $0x4;
	s17 =	simm.s32 $0x3C60;
	s18 =	simm.s32 $0x5020;
	v39 =	vmul.f32 v41, v16;
	v40 =	vadd.f32 v63, v18;
	v38 =	vadd.f32 v42, v17;
	v18 =	vld [tilespmem:s11+$0x10];
	v35 =	vpop (erf)  }
.LBB2_5:
0x9a: {  	s13 =	sadd.s32 $0x4, s13;
	v36 =	vadd.f32 v36, v25;
	v27 =	vadd.f32 v37, v27;
	s19 =	sadd.s32 $0x40, s19;
	(erf) = vpow2.f32 v31;
	v25 =	vld [tilespmem:s11+$0xFFFFFFF0];
	s18 =	sadd.s32 $0x40, s18  }
0x9b: {  	v24 =	vadd.f32 v24, v30;
	s10 =	sadd.s32 $0x40, s10;
	v31 =	vld [tilespmem:s19+$0xFFFFFFE0];
	p0 =	slt.u32 s13, $0x134;
	v37 =	vadd.f32 v40, v13;
	v40 =	vpop (erf);
	(erf) = vrcp.f32 v32  }
0x9c: {  	v38 =	vadd.f32 v38, v38;
	v32 =	vld [tilespmem:s10+$0x0];
	v27 =	vadd.f32 v39, v27;
	(erf) = vrcp.f32 v33;
	v33 =	vpop (erf)  }
0x9d: {  	s9 =	sadd.s32 $0x40, s9;
	v37 =	vadd.f32 v37, v37;
	v30 =	vld [tilespmem:s12+$0xFFFFFFF0];
	v33 =	vadd.f32 $1.000000000e+00, v33;
	(erf) = vrcp.f32 v29  }
0x9e: {  	v42 =	vadd.f32 v40, v40;
	v38 =	vmul.f32 $1.442695020e+00, v38;
	v29 =	vld [tilespmem:s9+$0xFFFFFFF0];
	v27 =	vadd.f32 v27, v17  }
0x9f: {  	v21 =	vadd.f32 v34, v21;
	v24 =	vadd.f32 v24, v13;
	v40 =	vld [tilespmem:s19+$0x0];
	v37 =	vmul.f32 $1.442695020e+00, v37  }
0xa0: {  	v23 =	vmul.f32 v23, v16;
	v28 =	vadd.f32 v28, v28;
	v34 =	vld [tilespmem:s10+$0x10];
	v27 =	vadd.f32 v27, v27  }
0xa1: {  	v22 =	vadd.f32 v22, v26;
	v26 =	vsub.f32 $1.000000000e+00, v42;
	v41 =	vld [tilespmem:s19+$0x10];
	v39 =	vpop (erf);
	(erf) = vrcp.f32 v33  }
0xa2: {  	v21 =	vadd.f32 v23, v21;
	v23 =	vadd.f32 v35, v35;
	(erf) = vpow2.f32 v38;
	v33 =	vld [tilespmem:s12+$0x0]  }
0xa3: {  	v44 =	vmul.f32 $1.442695020e+00, v27;
	v38 =	vadd.f32 v39, v39;
	v35 =	vld [tilespmem:s9+$0x10];
	(erf) = vpow2.f32 v37;
	v37 =	vpop (erf)  }
0xa4: {  	v28 =	vsub.f32 $1.000000000e+00, v28;
	v24 =	vadd.f32 v24, v24;
	v39 =	vld [tilespmem:s11+$0x0];
	v42 =	vpop (erf);
	s11 =	smov.u32 s18  }
0xa5: {  	v38 =	vsub.f32 $1.000000000e+00, v38;
	v43 =	vld [tilespmem:s9+$0xFFFFFFE0];
	(erf) = vpow2.f32 v44;
	v42 =	vadd.f32 v42, v42;
	v27 =	vpop (erf)  }
0xa6: {  	v36 =	vadd.f32 v36, v13;
	v45 =	vsub.f32 $1.000000000e+00, v23;
	v24 =	vmul.f32 $1.442695020e+00, v24;
	v44 =	vld [tilespmem:s19+$0xFFFFFFF0];
	v23 =	vpop (erf)  }
0xa7: {  	v21 =	vadd.f32 v21, v17;
	v27 =	vadd.f32 v27, v27;
	v46 =	vld [tilespmem:s12+$0x10];
	s12 =	smov.u32 s17  }
0xa8: {  	v48 =	vmul.f32 v41, v14;
	v51 =	vadd.f32 v23, v23;
	v47 =	vld [tilespmem:s10+$0xFFFFFFE0];
	v49 =	vmul.f32 v35, v15  }
0xa9: {  	v21 =	vadd.f32 v21, v21;
	(erf) = vpow2.f32 v24;
	[tilespmem:v30+s26+$0x0] =	vst.idx.add.f32.msk $0xffff, v45;
	v24 =	vsub.f32 $1.000000000e+00, v27  }
0xaa: {  	v50 =	vld [tilespmem:s9+$0x0];
	v27 =	vadd.f32 v49, v48;
	v48 =	vmul.f32 v34, v16;
	v49 =	vsub.f32 $1.000000000e+00, v51;
	v23 =	vpop (erf)  }
0xab: {  	v52 =	vmul.f32 $1.442695020e+00, v21;
	v51 =	vmul.f32 v40, v14;
	v53 =	vpop (erf);
	[tilespmem:v33+s26+$0x0] =	vst.idx.add.f32.msk $0xffff, v24;
	v54 =	vadd.f32 v23, v23  }
0xac: {  	v36 =	vadd.f32 v36, v36;
	v21 =	vmul.f32 v44, v14;
	v23 =	vld [tilespmem:s10+$0xFFFFFFF0];
	v48 =	vadd.f32 v48, v27;
	v55 =	vpop (erf)  }
0xad: {  	v27 =	vmul.f32 v31, v14;
	v53 =	vadd.f32 $1.000000000e+00, v53;
	[tilespmem:v39+s26+$0x0] =	vst.idx.add.f32.msk $0xffff, v24;
	v54 =	vsub.f32 $1.000000000e+00, v54  }
0xae: {  	v36 =	vmul.f32 $1.442695020e+00, v36;
	v24 =	vmul.f32 v32, v12;
	v48 =	vadd.f32 v48, v17;
	v56 =	vpop (erf);
	[tilespmem:v33+s28+$0x0] =	vst.idx.add.f32.msk $0xffff, v26  }
0xaf: {  	v57 =	vmul.f32 v31, v10;
	v31 =	vadd.f32 $1.000000000e+00, v56;
	(erf) = vpow2.f32 v52;
	[tilespmem:v46+s26+$0x0] =	vst.idx.add.f32.msk $0xffff, v54  }
0xb0: {  	v56 =	vadd.f32 v48, v48;
	v48 =	vadd.f32 v22, v13;
	(erf) = vpow2.f32 v36;
	[tilespmem:v18+s26+$0x0] =	vst.idx.add.f32.msk $0xffff, v54  }
0xb1: {  	v52 =	vadd.f32 $1.000000000e+00, v55;
	v36 =	vmul.f32 v32, v16;
	(erf) = vrcp.f32 v31;
	[tilespmem:v39+s28+$0x0] =	vst.idx.add.f32.msk $0xffff, v26  }
0xb2: {  	v22 =	vmul.f32 v34, v12;
	v31 =	vmul.f32 $1.442695020e+00, v56;
	v26 =	vadd.f32 v48, v48;
	v33 =	vpop (erf);
	[tilespmem:v20+s26+$0x0] =	vst.idx.add.f32.msk $0xffff, v49  }
0xb3: {  	v34 =	vmul.f32 v35, v11;
	v32 =	vadd.f32 $1.000000000e+00, v37;
	(erf) = vrcp.f32 v52;
	[tilespmem:v19+s26+$0x0] =	vst.idx.add.f32.msk $0xffff, v49  }
0xb4: {  	v35 =	vmul.f32 v41, v10;
	v33 =	vadd.f32 $1.000000000e+00, v33;
	v37 =	vmul.f32 $1.442695020e+00, v26;
	[tilespmem:v20+s28+$0x0] =	vst.idx.add.f32.msk $0xffff, v28  }
0xb5: {  	v39 =	vmul.f32 v50, v15;
	v20 =	vmul.f32 v50, v11;
	[tilespmem:v19+s28+$0x0] =	vst.idx.add.f32.msk $0xffff, v28;
	v19 =	vsub.f32 $1.000000000e+00, v42  }
0xb6: {  	v40 =	vmul.f32 v40, v10;
	v26 =	vadd.f32 v34, v35;
	(erf) = vrcp.f32 v53;
	[tilespmem:v25+s26+$0x0] =	vst.idx.add.f32.msk $0xffff, v45  }
0xb7: {  	v42 =	vmul.f32 v29, v11;
	(erf) = vpow2.f32 v37;
	[tilespmem:v30+s28+$0x0] =	vst.idx.add.f32.msk $0xffff, v38  }
0xb8: {  	v35 =	vadd.f32 v39, v51;
	v30 =	vmul.f32 v44, v10;
	v37 =	vpop (erf);
	[tilespmem:v25+s28+$0x0] =	vst.idx.add.f32.msk $0xffff, v38  }
.Ltmp5:
0xb9: {  	v34 =	vmul.f32 v29, v15;
	v25 =	vmul.f32 v43, v11;
	v38 =	vadd.f32 $1.000000000e+00, v37;
	v29 =	vpop (erf);
	[tilespmem:v46+s28+$0x0] =	vst.idx.add.f32.msk $0xffff, v19;
	(pc) =	sbr.rel @p0 .LBB2_5-.Ltmp5, $4  }
0xba: {  	v37 =	vmul.f32 v43, v15;
	v41 =	vadd.f32 v42, v30;
	v29 =	vadd.f32 $1.000000000e+00, v29;
	v28 =	vpop (erf);
	[tilespmem:v18+s28+$0x0] =	vst.idx.add.f32.msk $0xffff, v19  }
0xbb: {  	v42 =	vadd.f32 v36, v35;
	v25 =	vadd.f32 v25, v57;
	v18 =	vmul.f32 v23, v12;
	v19 =	vld [tilespmem:s18+$0xFFFFFFE0]  }
0xbc: {  	v36 =	vmul.f32 v47, v12;
	v30 =	vadd.f32 v20, v40;
	v20 =	vld [tilespmem:s17+$0xFFFFFFE0];
	v35 =	vpop (erf);
	(erf) = vrcp.f32 v38  }
0xbd: {  	v39 =	vmul.f32 v47, v16;
	v40 =	vadd.f32 v18, v41;
	v38 =	vadd.f32 v42, v17;
	s17 =	sadd.s32 $0x40, s17;
	v18 =	vld [tilespmem:s18+$0x10]  }
0xbe: {  	v27 =	vadd.f32 v37, v27  }
0xbf: {  	(erf) = vpow2.f32 v31;
	v21 =	vadd.f32 v34, v21  }
0xc0: {  	v23 =	vmul.f32 v23, v16;
	v24 =	vadd.f32 v24, v30;
	v27 =	vadd.f32 v39, v27  }
0xc1: {  	v63 =	vadd.f32 v40, v13;
	v40 =	vpop (erf);
	(erf) = vrcp.f32 v32;
	v41 =	vadd.f32 v38, v38  }
0xc2: {  	v42 =	vpop (erf);
	(erf) = vrcp.f32 v33;
	v21 =	vadd.f32 v23, v21;
	v27 =	vadd.f32 v27, v17  }
0xc3: {  	v31 =	vadd.f32 v63, v63;
	v43 =	vadd.f32 $1.000000000e+00, v42  }
0xc4: {  	(erf) = vrcp.f32 v29;
	v44 =	vmul.f32 $1.442695020e+00, v41;
	v27 =	vadd.f32 v27, v27  }
0xc5: {  	v24 =	vadd.f32 v24, v13;
	v31 =	vmul.f32 $1.442695020e+00, v31;
	(erf) = vrcp.f32 v43  }
0xc6: {  	v50 =	vld [tilespmem:s12+$0xFFFFFFF0];
	v21 =	vadd.f32 v21, v17;
	(erf) = vpow2.f32 v44;
	v27 =	vmul.f32 $1.442695020e+00, v27  }
0xc7: {  	v61 =	vld [tilespmem:s11+$0xFFFFFFF0];
	v24 =	vadd.f32 v24, v24;
	(erf) = vpow2.f32 v31  }
0xc8: {  	v21 =	vadd.f32 v21, v21;
	v45 =	vpop (erf);
	(erf) = vpow2.f32 v27  }
0xc9: {  	v47 =	vadd.f32 v36, v25;
	v24 =	vmul.f32 $1.442695020e+00, v24;
	v46 =	vpop (erf)  }
0xca: {  	v52 =	vadd.f32 v35, v35;
	v21 =	vmul.f32 $1.442695020e+00, v21;
	v48 =	vpop (erf)  }
0xcb: {  	v53 =	vld [tilespmem:s12+$0x0];
	v23 =	vadd.f32 v47, v13;
	v49 =	vpop (erf);
	(erf) = vpow2.f32 v24  }
0xcc: {  	v55 =	vld [tilespmem:s11+$0x0];
	v33 =	vsub.f32 $1.000000000e+00, v52;
	(erf) = vpow2.f32 v21  }
0xcd: {  	v22 =	vadd.f32 v22, v26;
	v58 =	vld [tilespmem:s12+$0x10];
	v23 =	vadd.f32 v23, v23;
	v51 =	vpop (erf)  }
0xce: {  	[tilespmem:v50+s26+$0x0] =	vst.idx.add.f32.msk $0xffff, v33;
	v27 =	vadd.f32 v45, v45;
	v54 =	vpop (erf)  }
0xcf: {  	v37 =	vadd.f32 v40, v40;
	v22 =	vadd.f32 v22, v13;
	v23 =	vmul.f32 $1.442695020e+00, v23;
	[tilespmem:v61+s26+$0x0] =	vst.idx.add.f32.msk $0xffff, v33;
	v56 =	vpop (erf)  }
0xd0: {  	s9 =	sadd.s32 $0x40, s18;
	v25 =	vadd.f32 v48, v48;
	v48 =	vld [tilespmem:s17+$0x0];
	v45 =	vsub.f32 $1.000000000e+00, v27;
	v57 =	vpop (erf)  }
0xd1: {  	v35 =	vsub.f32 $1.000000000e+00, v37;
	(erf) = vpow2.f32 v23;
	v37 =	vadd.f32 v51, v51;
	v51 =	vld [tilespmem:s9+$0xFFFFFFE0];
	v59 =	vpop (erf)  }
0xd2: {  	v22 =	vadd.f32 v22, v22;
	[tilespmem:v50+s28+$0x0] =	vst.idx.add.f32.msk $0xffff, v45;
	v24 =	vadd.f32 $1.000000000e+00, v59  }
0xd3: {  	v50 =	vld [tilespmem:s9+$0x0];
	v62 =	vadd.f32 v54, v54;
	v60 =	vadd.f32 $1.000000000e+00, v57  }
0xd4: {  	v21 =	vsub.f32 $1.000000000e+00, v37;
	[tilespmem:v61+s28+$0x0] =	vst.idx.add.f32.msk $0xffff, v45;
	v36 =	vadd.f32 $1.000000000e+00, v56;
	v38 =	vpop (erf);
	(erf) = vrcp.f32 v24  }
0xd5: {  	v63 =	vmul.f32 $1.442695020e+00, v22;
	v54 =	vld [tilespmem:s17+$0x10];
	v40 =	vpop (erf);
	v24 =	vsub.f32 $1.000000000e+00, v62;
	(erf) = vrcp.f32 v60  }
0xd6: {  	v28 =	vadd.f32 v28, v28;
	[tilespmem:v20+s26+$0x0] =	vst.idx.add.f32.msk $0xffff, v21;
	v22 =	vadd.f32 $1.000000000e+00, v40;
	(erf) = vrcp.f32 v36  }
0xd7: {  	v29 =	vadd.f32 $1.000000000e+00, v46;
	[tilespmem:v58+s26+$0x0] =	vst.idx.add.f32.msk $0xffff, v24;
	(erf) = vpow2.f32 v63  }
0xd8: {  	v41 =	vsub.f32 $1.000000000e+00, v28;
	[tilespmem:v18+s26+$0x0] =	vst.idx.add.f32.msk $0xffff, v24;
	v24 =	vadd.f32 $1.000000000e+00, v38;
	(erf) = vrcp.f32 v22  }
0xd9: {  	[tilespmem:v19+s26+$0x0] =	vst.idx.add.f32.msk $0xffff, v21;
	(erf) = vrcp.f32 v29  }
0xda: {  	v25 =	vsub.f32 $1.000000000e+00, v25;
	[tilespmem:v20+s28+$0x0] =	vst.idx.add.f32.msk $0xffff, v41;
	v42 =	vpop (erf);
	(erf) = vrcp.f32 v24  }
0xdb: {  	[tilespmem:v19+s28+$0x0] =	vst.idx.add.f32.msk $0xffff, v41  }
0xdc: {  	v30 =	vadd.f32 v49, v49;
	v46 =	vadd.f32 $1.000000000e+00, v42;
	[tilespmem:v58+s28+$0x0] =	vst.idx.add.f32.msk $0xffff, v25  }
0xdd: {  	[tilespmem:v18+s28+$0x0] =	vst.idx.add.f32.msk $0xffff, v25;
	v43 =	vpop (erf)  }
0xde: {  	v30 =	vsub.f32 $1.000000000e+00, v30;
	v18 =	vld [tilespmem:s17+$0xFFFFFFF0];
	(erf) = vrcp.f32 v46;
	v44 =	vpop (erf)  }
0xdf: {  	v58 =	vld [tilespmem:s9+$0xFFFFFFF0];
	v19 =	vpop (erf)  }
0xe0: {  	[tilespmem:v53+s26+$0x0] =	vst.idx.add.f32.msk $0xffff, v30;
	v47 =	vpop (erf)  }
0xe1: {  	v56 =	vld [tilespmem:s17+$0xFFFFFFE0];
	v49 =	vpop (erf)  }
0xe2: {  	[tilespmem:v55+s26+$0x0] =	vst.idx.add.f32.msk $0xffff, v30;
	v20 =	vadd.f32 v44, v44;
	v24 =	vadd.f32 $1.000000000e+00, v47;
	v52 =	vpop (erf)  }
0xe3: {  	[tilespmem:v53+s28+$0x0] =	vst.idx.add.f32.msk $0xffff, v35;
	v53 =	vpop (erf)  }
0xe4: {  	[tilespmem:v55+s28+$0x0] =	vst.idx.add.f32.msk $0xffff, v35;
	v20 =	vsub.f32 $1.000000000e+00, v20;
	(erf) = vrcp.f32 v24;
	v27 =	vadd.f32 v53, v53  }
0xe5: {  	v55 =	vld [tilespmem:s9+$0x10]  }
0xe6: {  	v19 =	vadd.f32 v19, v19;
	[tilespmem:v18+s26+$0x0] =	vst.idx.add.f32.msk $0xffff, v20;
	v27 =	vsub.f32 $1.000000000e+00, v27  }
0xe7: {  	[tilespmem:v58+s26+$0x0] =	vst.idx.add.f32.msk $0xffff, v20;
	v57 =	vpop (erf)  }
0xe8: {  	v19 =	vsub.f32 $1.000000000e+00, v19;
	v31 =	vadd.f32 v57, v57;
	[tilespmem:v48+s26+$0x0] =	vst.idx.add.f32.msk $0xffff, v27  }
0xe9: {  	[tilespmem:v50+s26+$0x0] =	vst.idx.add.f32.msk $0xffff, v27  }
0xea: {  	v21 =	vadd.f32 v43, v43;
	v61 =	vsub.f32 $1.000000000e+00, v31;
	[tilespmem:v48+s28+$0x0] =	vst.idx.add.f32.msk $0xffff, v19  }
0xeb: {  	v62 =	vadd.f32 v49, v49;
	[tilespmem:v50+s28+$0x0] =	vst.idx.add.f32.msk $0xffff, v19  }
0xec: {  	v19 =	vsub.f32 $1.000000000e+00, v21;
	[tilespmem:v56+s26+$0x0] =	vst.idx.add.f32.msk $0xffff, v61  }
0xed: {  	v21 =	vsub.f32 $1.000000000e+00, v62;
	v59 =	vpop (erf);
	[tilespmem:v51+s26+$0x0] =	vst.idx.add.f32.msk $0xffff, v61  }
0xee: {  	v33 =	vadd.f32 v59, v59;
	[tilespmem:v56+s28+$0x0] =	vst.idx.add.f32.msk $0xffff, v19  }
0xef: {  	s19 =	sshrl.u32 s16, $0x1;
	[tilespmem:v18+s28+$0x0] =	vst.idx.add.f32.msk $0xffff, v21  }
0xf0: {  	p0 =	sne.s32 s19, s6;
	v63 =	vadd.f32 v52, v52;
	[tilespmem:v51+s28+$0x0] =	vst.idx.add.f32.msk $0xffff, v19;
	v60 =	vsub.f32 $1.000000000e+00, v33  }
.Ltmp6:
0xf1: {  	[tilespmem:v58+s28+$0x0] =	vst.idx.add.f32.msk $0xffff, v21;
	(pc) =	sbr.rel @p0 .LBB2_10-.Ltmp6, $4  }
0xf2: {  	v19 =	vsub.f32 $1.000000000e+00, v63;
	[tilespmem:v54+s26+$0x0] =	vst.idx.add.f32.msk $0xffff, v60  }
0xf3: {  	[tilespmem:v55+s26+$0x0] =	vst.idx.add.f32.msk $0xffff, v60  }
0xf4: {  	[tilespmem:v54+s28+$0x0] =	vst.idx.add.f32.msk $0xffff, v19  }
0xf5: {  	[tilespmem:v55+s28+$0x0] =	vst.idx.add.f32.msk $0xffff, v19  }
0xf6: {  	s10 =	simm.s32 $0x3C20  }
0xf7: {  	v19 =	vld [tilespmem:s10+$0x10]  }
0xf8: {  	v21 =	vld [tilespmem:s10+$0xFFFFFFF0]  }
0xf9: {  	v23 =	vld [tilespmem:s10+$0x0]  }
0xfa: {  	s9 =	simm.s32 $0x5020;
	v25 =	vld [tilespmem:s10+$0xFFFFFFE0]  }
0xfb: {  	v20 =	vld [tilespmem:s9+$0x10]  }
0xfc: {  	v22 =	vld [tilespmem:s9+$0xFFFFFFF0]  }
0xfd: {  	v24 =	vld [tilespmem:s9+$0x0]  }
0xfe: {  	v18 =	vld [tilespmem:s9+$0xFFFFFFE0]  }
0xff: {  	[tilespmem:v19+s29+$0x0] =	vst.idx.add.f32.msk $0xffff, v9  }
0x100: {  	[tilespmem:v21+s29+$0x0] =	vst.idx.add.f32.msk $0xffff, v9  }
0x101: {  	[tilespmem:v23+s29+$0x0] =	vst.idx.add.f32.msk $0xffff, v9  }
0x102: {  	[tilespmem:v25+s29+$0x0] =	vst.idx.add.f32.msk $0xffff, v9  }
0x103: {  	[tilespmem:v20+s29+$0x0] =	vst.idx.add.f32.msk $0xffff, v9  }
0x104: {  	[tilespmem:v22+s29+$0x0] =	vst.idx.add.f32.msk $0xffff, v9  }
0x105: {  	s11 =	simm.s32 $0x3C60;
	s10 =	simm.s32 $0x0;
	[tilespmem:v24+s29+$0x0] =	vst.idx.add.f32.msk $0xffff, v9  }
.LBB2_8:
0x106: {  	v19 =	vld [tilespmem:s11+$0x10];
	s9 =	sadd.s32 $0x40, s9  }
0x107: {  	s10 =	sadd.s32 $0x4, s10;
	v20 =	vld [tilespmem:s9+$0x10]  }
0x108: {  	p1 =	slt.u32 s10, $0x134;
	v21 =	vld [tilespmem:s9+$0xFFFFFFE0]  }
0x109: {  	v22 =	vld [tilespmem:s11+$0xFFFFFFF0]  }
0x10a: {  	v23 =	vld [tilespmem:s9+$0xFFFFFFF0]  }
0x10b: {  	v24 =	vld [tilespmem:s11+$0x0]  }
0x10c: {  	v25 =	vld [tilespmem:s9+$0x0]  }
0x10d: {  	v26 =	vld [tilespmem:s11+$0xFFFFFFE0]  }
0x10e: {  	[tilespmem:v19+s29+$0x0] =	vst.idx.add.f32.msk $0xffff, v9  }
0x10f: {  	[tilespmem:v20+s29+$0x0] =	vst.idx.add.f32.msk $0xffff, v9  }
0x110: {  	[tilespmem:v18+s29+$0x0] =	vst.idx.add.f32.msk $0xffff, v9;
	v18 =	vmov v21  }
.Ltmp7:
0x111: {  	[tilespmem:v22+s29+$0x0] =	vst.idx.add.f32.msk $0xffff, v9;
	(pc) =	sbr.rel @p1 .LBB2_8-.Ltmp7, $4  }
0x112: {  	[tilespmem:v23+s29+$0x0] =	vst.idx.add.f32.msk $0xffff, v9  }
0x113: {  	[tilespmem:v24+s29+$0x0] =	vst.idx.add.f32.msk $0xffff, v9  }
0x114: {  	[tilespmem:v25+s29+$0x0] =	vst.idx.add.f32.msk $0xffff, v9  }
0x115: {  	s11 =	sadd.s32 $0x40, s11;
	[tilespmem:v26+s29+$0x0] =	vst.idx.add.f32.msk $0xffff, v9  }
0x116: {  	_ =	sdelay $0x3  }
0x117: {  	[tilespmem:v18+s29+$0x0] =	vst.idx.add.f32.msk $0xffff, v9  }
.LBB2_10:
0x118: {  	p1 =	seq.s32 s16, $0x3F  }
0x119: {  	s9 =	smul.u32 @!p1 $0x2710, s16;
	_ =	sdelay $0x1  }
0x11a: {  	s9 =	sshrl.u32 @!p1 s9, $0x3  }
0x11b: {  	s9 =	sadd.s32 @!p1 $0x4E2, s9  }
0x11c: {  	s11 =	simm.s32 @!p1 $0x0;
	s10 =	sadd.s32 @!p1 s0, s9  }
0x11d: {  	[tilespmem:s11], [sflag:$0x1] =	stream.linear.gather @!p1 [hbm4b:s10+s11], $0x1388, $0x38;
	[tilespmem:$0x14080] =	vst v63  }
0x11e: {  	s12 =	simm.s32 @!p1 $0x1400;
	s10 =	sadd.s32 @!p1 s2, s9  }
0x11f: {  	[tilespmem:s12], [sflag:$0x1] =	stream.linear.gather @!p1 [hbm4b:s10+s11], $0x1388, $0x38;
	[tilespmem:$0x14080] =	vst v63  }
0x120: {  	s10 =	sadd.s32 @!p1 s4, s9;
	s12 =	simm.s32 @!p1 $0x2800  }
0x121: {  	[tilespmem:s12], [sflag:$0x1] =	stream.linear.gather @!p1 [hbm4b:s10+s11], $0x1388, $0x38;
	[tilespmem:$0x14080] =	vst v63  }
0x122: {  	s10 =	sadd.s32 @!p1 s7, s9;
	s12 =	simm.s32 @!p1 $0x3C00  }
0x123: {  	[tilespmem:s12], [sflag:$0x1] =	stream.linear.gather @!p1 [hbm4b:s10+s11], $0x1388, $0x38;
	[tilespmem:$0x14080] =	vst v63  }
0x124: {  	s9 =	sadd.s32 @!p1 s8, s9;
	s10 =	simm.s32 @!p1 $0x5000  }
0x125: {  	[tilespmem:s10], [sflag:$0x1] =	stream.linear.gather @!p1 [hbm4b:s9+s11], $0x1388, $0x38;
	[tilespmem:$0x14080] =	vst v63  }
0x126: {  	_ =	swait.ge [sflag:s30], $0x1388  }
0x127: {  	[sflag:s30] =	ssyncset.done $0x0  }
0x128: {  	[sflag:s30] =	ssyncadd.s32 $0xFFFFEC78  }
0x129: {  	_ =	swait.ge [sflag:s30], $0x1388  }
0x12a: {  	[sflag:s30] =	ssyncset.done $0x0  }
0x12b: {  	[sflag:s30] =	ssyncadd.s32 $0xFFFFEC78  }
0x12c: {  	_ =	swait.ge [sflag:s30], $0x1388  }
0x12d: {  	[sflag:s30] =	ssyncset.done $0x0  }
0x12e: {  	[sflag:s30] =	ssyncadd.s32 $0xFFFFEC78  }
0x12f: {  	_ =	swait.ge [sflag:s30], $0x1388  }
0x130: {  	[sflag:s30] =	ssyncset.done $0x0  }
0x131: {  	[sflag:s30] =	ssyncadd.s32 $0xFFFFEC78  }
0x132: {  	_ =	swait.ge [sflag:s30], $0x1388  }
0x133: {  	[sflag:s30] =	ssyncset.done $0x0  }
0x134: {  	s17 =	simm.s32 $0x6420;
	[sflag:s30] =	ssyncadd.s32 $0xFFFFEC78  }
0x135: {  	v18 =	vld [tilespmem:s17+$0xFFFFFFE0]  }
0x136: {  	s19 =	simm.s32 $0x7820;
	v21 =	vld [tilespmem:s17+$0x10]  }
0x137: {  	s18 =	simm.s32 $0x8C20;
	v22 =	vld [tilespmem:s19+$0x10]  }
0x138: {  	v23 =	vld [tilespmem:s18+$0x10]  }
0x139: {  	v24 =	vld [tilespmem:s17+$0xFFFFFFF0]  }
0x13a: {  	v25 =	vld [tilespmem:s19+$0x0]  }
0x13b: {  	v19 =	vld [tilespmem:s18+$0x0]  }
0x13c: {  	v27 =	vld [tilespmem:s19+$0xFFFFFFE0]  }
0x13d: {  	v20 =	vld [tilespmem:s17+$0x0];
	v28 =	vmul.f32 v21, v14;
	v29 =	vmul.f32 v22, v15  }
0x13e: {  	v26 =	vld [tilespmem:s19+$0xFFFFFFF0];
	v30 =	vmul.f32 v23, v16;
	v33 =	vmul.f32 v24, v14  }
0x13f: {  	v34 =	vmul.f32 v18, v14;
	v35 =	vmul.f32 v25, v15  }
0x140: {  	v31 =	vld [tilespmem:s18+$0xFFFFFFF0];
	v24 =	vmul.f32 v24, v10;
	v36 =	vmul.f32 v19, v16  }
0x141: {  	v32 =	vld [tilespmem:s18+$0xFFFFFFE0];
	v53 =	vmul.f32 v27, v15;
	v18 =	vmul.f32 v18, v10;
	v28 =	vadd.f32 v29, v28  }
0x142: {  	v25 =	vmul.f32 v25, v11;
	v29 =	vmul.f32 v20, v14  }
0x143: {  	v27 =	vmul.f32 v27, v11;
	v28 =	vadd.f32 v30, v28;
	v30 =	vmul.f32 v26, v11  }
0x144: {  	v34 =	vadd.f32 v53, v34;
	v20 =	vmul.f32 v20, v10;
	v29 =	vadd.f32 v35, v29  }
0x145: {  	v18 =	vadd.f32 v27, v18;
	v24 =	vadd.f32 v30, v24;
	v30 =	vmul.f32 v31, v12  }
0x146: {  	v54 =	vmul.f32 v32, v16;
	v20 =	vadd.f32 v25, v20;
	v29 =	vadd.f32 v36, v29  }
0x147: {  	v28 =	vadd.f32 v28, v17;
	v24 =	vadd.f32 v30, v24  }
0x148: {  	v19 =	vmul.f32 v19, v12;
	v29 =	vadd.f32 v29, v17;
	v30 =	vadd.f32 v54, v34  }
0x149: {  	v23 =	vmul.f32 v23, v12;
	v28 =	vadd.f32 v28, v28;
	v24 =	vadd.f32 v24, v13  }
0x14a: {  	v27 =	vmul.f32 v31, v16;
	v29 =	vadd.f32 v29, v29;
	v30 =	vadd.f32 v30, v17  }
0x14b: {  	s9 =	simm.s32 $0x7860;
	v26 =	vmul.f32 v26, v15;
	v28 =	vmul.f32 $1.442695020e+00, v28;
	v24 =	vadd.f32 v24, v24  }
0x14c: {  	s19 =	simm.s32 $0x6460;
	v19 =	vadd.f32 v19, v20;
	v20 =	vld [tilespmem:s9+$0x10];
	v25 =	vmul.f32 $1.442695020e+00, v29;
	v29 =	vadd.f32 v30, v30  }
0x14d: {  	s10 =	simm.s32 $0x8C60;
	(erf) = vpow2.f32 v28;
	v28 =	vld [tilespmem:s19+$0x10];
	v24 =	vmul.f32 $1.442695020e+00, v24  }
0x14e: {  	v55 =	vld [tilespmem:s10+$0x0];
	v26 =	vadd.f32 v26, v33;
	(erf) = vpow2.f32 v25;
	v25 =	vmul.f32 $1.442695020e+00, v29  }
0x14f: {  	v19 =	vadd.f32 v19, v13;
	v29 =	vld [tilespmem:s10+$0x10];
	(erf) = vpow2.f32 v24;
	v24 =	vmul.f32 v32, v12  }
0x150: {  	v60 =	vld [tilespmem:s9+$0x0];
	v22 =	vmul.f32 v22, v11;
	v21 =	vmul.f32 v21, v10;
	v26 =	vadd.f32 v27, v26  }
0x151: {  	v19 =	vadd.f32 v19, v19;
	(erf) = vpow2.f32 v25;
	v18 =	vadd.f32 v24, v18  }
0x152: {  	v41 =	vld [tilespmem:s10+$0xFFFFFFE0];
	v27 =	vmul.f32 v20, v15;
	v24 =	vadd.f32 v26, v17;
	v26 =	vmul.f32 v28, v14  }
0x153: {  	v37 =	vld [tilespmem:s9+$0xFFFFFFF0];
	v22 =	vadd.f32 v22, v21;
	v19 =	vmul.f32 $1.442695020e+00, v19;
	v18 =	vadd.f32 v18, v13  }
0x154: {  	v31 =	vld [tilespmem:s19+$0xFFFFFFE0];
	v21 =	vadd.f32 v24, v24;
	v24 =	vadd.f32 v27, v26;
	v26 =	vmul.f32 v29, v16  }
0x155: {  	v61 =	vmul.f32 v55, v16;
	v39 =	vmul.f32 v60, v11  }
0x156: {  	v56 =	vpop (erf);
	(erf) = vpow2.f32 v19;
	v18 =	vadd.f32 v18, v18;
	v26 =	vadd.f32 v26, v24  }
0x157: {  	v36 =	vmul.f32 v41, v12;
	v25 =	vld [tilespmem:s19+$0x0];
	v57 =	vmul.f32 $1.442695020e+00, v21  }
0x158: {  	v34 =	vmul.f32 v37, v15;
	v58 =	vpop (erf);
	v18 =	vmul.f32 $1.442695020e+00, v18;
	v26 =	vadd.f32 v26, v17  }
0x159: {  	v22 =	vadd.f32 v23, v22;
	v38 =	vmul.f32 v31, v10;
	v30 =	vld [tilespmem:s19+$0xFFFFFFF0];
	v23 =	vpop (erf);
	(erf) = vpow2.f32 v57  }
0x15a: {  	v20 =	vmul.f32 v20, v11;
	v59 =	vpop (erf);
	(erf) = vpow2.f32 v18;
	v18 =	vadd.f32 v26, v26  }
0x15b: {  	v27 =	vmul.f32 v31, v14;
	v26 =	vadd.f32 v22, v13;
	v31 =	vadd.f32 $1.000000000e+00, v59  }
0x15c: {  	v19 =	vmul.f32 v25, v14;
	v23 =	vadd.f32 $1.000000000e+00, v23;
	v22 =	vmul.f32 v29, v12  }
0x15d: {  	v29 =	vld [tilespmem:s9+$0xFFFFFFE0];
	(erf) = vrcp.f32 v31;
	v31 =	vmul.f32 $1.442695020e+00, v18;
	v18 =	vadd.f32 v26, v26  }
0x15e: {  	v21 =	vmul.f32 v30, v14;
	v35 =	vadd.f32 $1.000000000e+00, v58;
	(erf) = vrcp.f32 v23  }
0x15f: {  	v26 =	vmul.f32 v28, v10;
	v28 =	vpop (erf);
	v18 =	vmul.f32 $1.442695020e+00, v18  }
0x160: {  	v23 =	vld [tilespmem:s10+$0xFFFFFFF0];
	v33 =	vadd.f32 $1.000000000e+00, v28;
	v28 =	vmul.f32 v60, v15;
	(erf) = vrcp.f32 v35  }
0x161: {  	v24 =	vmul.f32 v55, v12;
	v32 =	vadd.f32 $1.000000000e+00, v56;
	(erf) = vpow2.f32 v18  }
0x162: {  	v40 =	vmul.f32 v25, v10;
	v19 =	vadd.f32 v28, v19;
	v28 =	vmul.f32 v29, v11  }
0x163: {  	v26 =	vadd.f32 v20, v26;
	v20 =	vmul.f32 v37, v11;
	v18 =	vmul.f32 v30, v10;
	v25 =	vpop (erf)  }
0x164: {  	s11 =	simm.s32 $0xB420;
	v37 =	vmul.f32 v29, v15;
	v30 =	vadd.f32 v39, v40;
	v62 =	vadd.f32 $1.000000000e+00, v25  }
0x165: {  	s12 =	simm.s32 $0xA020;
	v25 =	vpop (erf);
	v18 =	vadd.f32 v20, v18;
	v63 =	vmul.f32 v23, v12;
	v42 =	vadd.f32 v61, v19;
	v19 =	vld [tilespmem:s11+$0xFFFFFFE0]  }
0x166: {  	v20 =	vld [tilespmem:s12+$0xFFFFFFE0];
	v29 =	vadd.f32 $1.000000000e+00, v25;
	v25 =	vadd.f32 v28, v38;
	(erf) = vrcp.f32 v62;
	v28 =	vpop (erf)  }
0x167: {  	s13 =	simm.s32 $0x4;
	s17 =	simm.s32 $0xA060;
	s18 =	simm.s32 $0xB420;
	v39 =	vmul.f32 v41, v16;
	v40 =	vadd.f32 v63, v18;
	v38 =	vadd.f32 v42, v17;
	v18 =	vld [tilespmem:s11+$0x10];
	v35 =	vpop (erf)  }
.LBB2_11:
0x168: {  	s13 =	sadd.s32 $0x4, s13;
	v36 =	vadd.f32 v36, v25;
	v27 =	vadd.f32 v37, v27;
	s19 =	sadd.s32 $0x40, s19;
	(erf) = vpow2.f32 v31;
	v25 =	vld [tilespmem:s11+$0xFFFFFFF0];
	s18 =	sadd.s32 $0x40, s18  }
0x169: {  	v24 =	vadd.f32 v24, v30;
	s10 =	sadd.s32 $0x40, s10;
	v31 =	vld [tilespmem:s19+$0xFFFFFFE0];
	p1 =	slt.u32 s13, $0x134;
	v37 =	vadd.f32 v40, v13;
	v40 =	vpop (erf);
	(erf) = vrcp.f32 v32  }
0x16a: {  	v38 =	vadd.f32 v38, v38;
	v32 =	vld [tilespmem:s10+$0x0];
	v27 =	vadd.f32 v39, v27;
	(erf) = vrcp.f32 v33;
	v33 =	vpop (erf)  }
0x16b: {  	s9 =	sadd.s32 $0x40, s9;
	v37 =	vadd.f32 v37, v37;
	v30 =	vld [tilespmem:s12+$0xFFFFFFF0];
	v33 =	vadd.f32 $1.000000000e+00, v33;
	(erf) = vrcp.f32 v29  }
0x16c: {  	v42 =	vadd.f32 v40, v40;
	v38 =	vmul.f32 $1.442695020e+00, v38;
	v29 =	vld [tilespmem:s9+$0xFFFFFFF0];
	v27 =	vadd.f32 v27, v17  }
0x16d: {  	v21 =	vadd.f32 v34, v21;
	v24 =	vadd.f32 v24, v13;
	v40 =	vld [tilespmem:s19+$0x0];
	v37 =	vmul.f32 $1.442695020e+00, v37  }
0x16e: {  	v23 =	vmul.f32 v23, v16;
	v28 =	vadd.f32 v28, v28;
	v34 =	vld [tilespmem:s10+$0x10];
	v27 =	vadd.f32 v27, v27  }
0x16f: {  	v22 =	vadd.f32 v22, v26;
	v26 =	vsub.f32 $1.000000000e+00, v42;
	v41 =	vld [tilespmem:s19+$0x10];
	v39 =	vpop (erf);
	(erf) = vrcp.f32 v33  }
0x170: {  	v21 =	vadd.f32 v23, v21;
	v23 =	vadd.f32 v35, v35;
	(erf) = vpow2.f32 v38;
	v33 =	vld [tilespmem:s12+$0x0]  }
0x171: {  	v44 =	vmul.f32 $1.442695020e+00, v27;
	v38 =	vadd.f32 v39, v39;
	v35 =	vld [tilespmem:s9+$0x10];
	(erf) = vpow2.f32 v37;
	v37 =	vpop (erf)  }
0x172: {  	v28 =	vsub.f32 $1.000000000e+00, v28;
	v24 =	vadd.f32 v24, v24;
	v39 =	vld [tilespmem:s11+$0x0];
	v42 =	vpop (erf);
	s11 =	smov.u32 s18  }
0x173: {  	v38 =	vsub.f32 $1.000000000e+00, v38;
	v43 =	vld [tilespmem:s9+$0xFFFFFFE0];
	(erf) = vpow2.f32 v44;
	v42 =	vadd.f32 v42, v42;
	v27 =	vpop (erf)  }
0x174: {  	v36 =	vadd.f32 v36, v13;
	v45 =	vsub.f32 $1.000000000e+00, v23;
	v24 =	vmul.f32 $1.442695020e+00, v24;
	v44 =	vld [tilespmem:s19+$0xFFFFFFF0];
	v23 =	vpop (erf)  }
0x175: {  	v21 =	vadd.f32 v21, v17;
	v27 =	vadd.f32 v27, v27;
	v46 =	vld [tilespmem:s12+$0x10];
	s12 =	smov.u32 s17  }
0x176: {  	v48 =	vmul.f32 v41, v14;
	v51 =	vadd.f32 v23, v23;
	v47 =	vld [tilespmem:s10+$0xFFFFFFE0];
	v49 =	vmul.f32 v35, v15  }
0x177: {  	v21 =	vadd.f32 v21, v21;
	(erf) = vpow2.f32 v24;
	[tilespmem:v30+s26+$0x0] =	vst.idx.add.f32.msk $0xffff, v45;
	v24 =	vsub.f32 $1.000000000e+00, v27  }
0x178: {  	v50 =	vld [tilespmem:s9+$0x0];
	v27 =	vadd.f32 v49, v48;
	v48 =	vmul.f32 v34, v16;
	v49 =	vsub.f32 $1.000000000e+00, v51;
	v23 =	vpop (erf)  }
0x179: {  	v52 =	vmul.f32 $1.442695020e+00, v21;
	v51 =	vmul.f32 v40, v14;
	v53 =	vpop (erf);
	[tilespmem:v33+s26+$0x0] =	vst.idx.add.f32.msk $0xffff, v24;
	v54 =	vadd.f32 v23, v23  }
0x17a: {  	v36 =	vadd.f32 v36, v36;
	v21 =	vmul.f32 v44, v14;
	v23 =	vld [tilespmem:s10+$0xFFFFFFF0];
	v48 =	vadd.f32 v48, v27;
	v55 =	vpop (erf)  }
0x17b: {  	v27 =	vmul.f32 v31, v14;
	v53 =	vadd.f32 $1.000000000e+00, v53;
	[tilespmem:v39+s26+$0x0] =	vst.idx.add.f32.msk $0xffff, v24;
	v54 =	vsub.f32 $1.000000000e+00, v54  }
0x17c: {  	v36 =	vmul.f32 $1.442695020e+00, v36;
	v24 =	vmul.f32 v32, v12;
	v48 =	vadd.f32 v48, v17;
	v56 =	vpop (erf);
	[tilespmem:v33+s28+$0x0] =	vst.idx.add.f32.msk $0xffff, v26  }
0x17d: {  	v57 =	vmul.f32 v31, v10;
	v31 =	vadd.f32 $1.000000000e+00, v56;
	(erf) = vpow2.f32 v52;
	[tilespmem:v46+s26+$0x0] =	vst.idx.add.f32.msk $0xffff, v54  }
0x17e: {  	v56 =	vadd.f32 v48, v48;
	v48 =	vadd.f32 v22, v13;
	(erf) = vpow2.f32 v36;
	[tilespmem:v18+s26+$0x0] =	vst.idx.add.f32.msk $0xffff, v54  }
0x17f: {  	v52 =	vadd.f32 $1.000000000e+00, v55;
	v36 =	vmul.f32 v32, v16;
	(erf) = vrcp.f32 v31;
	[tilespmem:v39+s28+$0x0] =	vst.idx.add.f32.msk $0xffff, v26  }
0x180: {  	v22 =	vmul.f32 v34, v12;
	v31 =	vmul.f32 $1.442695020e+00, v56;
	v26 =	vadd.f32 v48, v48;
	v33 =	vpop (erf);
	[tilespmem:v20+s26+$0x0] =	vst.idx.add.f32.msk $0xffff, v49  }
0x181: {  	v34 =	vmul.f32 v35, v11;
	v32 =	vadd.f32 $1.000000000e+00, v37;
	(erf) = vrcp.f32 v52;
	[tilespmem:v19+s26+$0x0] =	vst.idx.add.f32.msk $0xffff, v49  }
0x182: {  	v35 =	vmul.f32 v41, v10;
	v33 =	vadd.f32 $1.000000000e+00, v33;
	v37 =	vmul.f32 $1.442695020e+00, v26;
	[tilespmem:v20+s28+$0x0] =	vst.idx.add.f32.msk $0xffff, v28  }
0x183: {  	v39 =	vmul.f32 v50, v15;
	v20 =	vmul.f32 v50, v11;
	[tilespmem:v19+s28+$0x0] =	vst.idx.add.f32.msk $0xffff, v28;
	v19 =	vsub.f32 $1.000000000e+00, v42  }
0x184: {  	v40 =	vmul.f32 v40, v10;
	v26 =	vadd.f32 v34, v35;
	(erf) = vrcp.f32 v53;
	[tilespmem:v25+s26+$0x0] =	vst.idx.add.f32.msk $0xffff, v45  }
0x185: {  	v42 =	vmul.f32 v29, v11;
	(erf) = vpow2.f32 v37;
	[tilespmem:v30+s28+$0x0] =	vst.idx.add.f32.msk $0xffff, v38  }
0x186: {  	v35 =	vadd.f32 v39, v51;
	v30 =	vmul.f32 v44, v10;
	v37 =	vpop (erf);
	[tilespmem:v25+s28+$0x0] =	vst.idx.add.f32.msk $0xffff, v38  }
.Ltmp8:
0x187: {  	v34 =	vmul.f32 v29, v15;
	v25 =	vmul.f32 v43, v11;
	v38 =	vadd.f32 $1.000000000e+00, v37;
	v29 =	vpop (erf);
	[tilespmem:v46+s28+$0x0] =	vst.idx.add.f32.msk $0xffff, v19;
	(pc) =	sbr.rel @p1 .LBB2_11-.Ltmp8, $4  }
0x188: {  	v37 =	vmul.f32 v43, v15;
	v41 =	vadd.f32 v42, v30;
	v29 =	vadd.f32 $1.000000000e+00, v29;
	v28 =	vpop (erf);
	[tilespmem:v18+s28+$0x0] =	vst.idx.add.f32.msk $0xffff, v19  }
0x189: {  	v42 =	vadd.f32 v36, v35;
	v25 =	vadd.f32 v25, v57;
	v18 =	vmul.f32 v23, v12;
	v19 =	vld [tilespmem:s18+$0xFFFFFFE0]  }
0x18a: {  	v36 =	vmul.f32 v47, v12;
	v30 =	vadd.f32 v20, v40;
	v20 =	vld [tilespmem:s17+$0xFFFFFFE0];
	v35 =	vpop (erf);
	(erf) = vrcp.f32 v38  }
0x18b: {  	v39 =	vmul.f32 v47, v16;
	v40 =	vadd.f32 v18, v41;
	v38 =	vadd.f32 v42, v17;
	s17 =	sadd.s32 $0x40, s17;
	v18 =	vld [tilespmem:s18+$0x10]  }
0x18c: {  	v27 =	vadd.f32 v37, v27  }
0x18d: {  	(erf) = vpow2.f32 v31;
	v21 =	vadd.f32 v34, v21  }
0x18e: {  	v23 =	vmul.f32 v23, v16;
	v24 =	vadd.f32 v24, v30;
	v27 =	vadd.f32 v39, v27  }
0x18f: {  	v63 =	vadd.f32 v40, v13;
	v40 =	vpop (erf);
	(erf) = vrcp.f32 v32;
	v41 =	vadd.f32 v38, v38  }
0x190: {  	v42 =	vpop (erf);
	(erf) = vrcp.f32 v33;
	v21 =	vadd.f32 v23, v21;
	v27 =	vadd.f32 v27, v17  }
0x191: {  	v31 =	vadd.f32 v63, v63;
	v43 =	vadd.f32 $1.000000000e+00, v42  }
0x192: {  	(erf) = vrcp.f32 v29;
	v44 =	vmul.f32 $1.442695020e+00, v41;
	v27 =	vadd.f32 v27, v27  }
0x193: {  	v24 =	vadd.f32 v24, v13;
	v31 =	vmul.f32 $1.442695020e+00, v31;
	(erf) = vrcp.f32 v43  }
0x194: {  	v50 =	vld [tilespmem:s12+$0xFFFFFFF0];
	v21 =	vadd.f32 v21, v17;
	(erf) = vpow2.f32 v44;
	v27 =	vmul.f32 $1.442695020e+00, v27  }
0x195: {  	v61 =	vld [tilespmem:s11+$0xFFFFFFF0];
	v24 =	vadd.f32 v24, v24;
	(erf) = vpow2.f32 v31  }
0x196: {  	v21 =	vadd.f32 v21, v21;
	v45 =	vpop (erf);
	(erf) = vpow2.f32 v27  }
0x197: {  	v47 =	vadd.f32 v36, v25;
	v24 =	vmul.f32 $1.442695020e+00, v24;
	v46 =	vpop (erf)  }
0x198: {  	v52 =	vadd.f32 v35, v35;
	v21 =	vmul.f32 $1.442695020e+00, v21;
	v48 =	vpop (erf)  }
0x199: {  	v53 =	vld [tilespmem:s12+$0x0];
	v23 =	vadd.f32 v47, v13;
	v49 =	vpop (erf);
	(erf) = vpow2.f32 v24  }
0x19a: {  	v55 =	vld [tilespmem:s11+$0x0];
	v33 =	vsub.f32 $1.000000000e+00, v52;
	(erf) = vpow2.f32 v21  }
0x19b: {  	v22 =	vadd.f32 v22, v26;
	v58 =	vld [tilespmem:s12+$0x10];
	v23 =	vadd.f32 v23, v23;
	v51 =	vpop (erf)  }
0x19c: {  	[tilespmem:v50+s26+$0x0] =	vst.idx.add.f32.msk $0xffff, v33;
	v27 =	vadd.f32 v45, v45;
	v54 =	vpop (erf)  }
0x19d: {  	v37 =	vadd.f32 v40, v40;
	v22 =	vadd.f32 v22, v13;
	v23 =	vmul.f32 $1.442695020e+00, v23;
	[tilespmem:v61+s26+$0x0] =	vst.idx.add.f32.msk $0xffff, v33;
	v56 =	vpop (erf)  }
0x19e: {  	s9 =	sadd.s32 $0x40, s18;
	v25 =	vadd.f32 v48, v48;
	v48 =	vld [tilespmem:s17+$0x0];
	v45 =	vsub.f32 $1.000000000e+00, v27;
	v57 =	vpop (erf)  }
0x19f: {  	v35 =	vsub.f32 $1.000000000e+00, v37;
	(erf) = vpow2.f32 v23;
	v37 =	vadd.f32 v51, v51;
	v51 =	vld [tilespmem:s9+$0xFFFFFFE0];
	v59 =	vpop (erf)  }
0x1a0: {  	v22 =	vadd.f32 v22, v22;
	[tilespmem:v50+s28+$0x0] =	vst.idx.add.f32.msk $0xffff, v45;
	v24 =	vadd.f32 $1.000000000e+00, v59  }
0x1a1: {  	v50 =	vld [tilespmem:s9+$0x0];
	v62 =	vadd.f32 v54, v54;
	v60 =	vadd.f32 $1.000000000e+00, v57  }
0x1a2: {  	v21 =	vsub.f32 $1.000000000e+00, v37;
	[tilespmem:v61+s28+$0x0] =	vst.idx.add.f32.msk $0xffff, v45;
	v36 =	vadd.f32 $1.000000000e+00, v56;
	v38 =	vpop (erf);
	(erf) = vrcp.f32 v24  }
0x1a3: {  	v63 =	vmul.f32 $1.442695020e+00, v22;
	v54 =	vld [tilespmem:s17+$0x10];
	v40 =	vpop (erf);
	v24 =	vsub.f32 $1.000000000e+00, v62;
	(erf) = vrcp.f32 v60  }
0x1a4: {  	v28 =	vadd.f32 v28, v28;
	[tilespmem:v20+s26+$0x0] =	vst.idx.add.f32.msk $0xffff, v21;
	v22 =	vadd.f32 $1.000000000e+00, v40;
	(erf) = vrcp.f32 v36  }
0x1a5: {  	v29 =	vadd.f32 $1.000000000e+00, v46;
	[tilespmem:v58+s26+$0x0] =	vst.idx.add.f32.msk $0xffff, v24;
	(erf) = vpow2.f32 v63  }
0x1a6: {  	v41 =	vsub.f32 $1.000000000e+00, v28;
	[tilespmem:v18+s26+$0x0] =	vst.idx.add.f32.msk $0xffff, v24;
	v24 =	vadd.f32 $1.000000000e+00, v38;
	(erf) = vrcp.f32 v22  }
0x1a7: {  	[tilespmem:v19+s26+$0x0] =	vst.idx.add.f32.msk $0xffff, v21;
	(erf) = vrcp.f32 v29  }
0x1a8: {  	v25 =	vsub.f32 $1.000000000e+00, v25;
	[tilespmem:v20+s28+$0x0] =	vst.idx.add.f32.msk $0xffff, v41;
	v42 =	vpop (erf);
	(erf) = vrcp.f32 v24  }
0x1a9: {  	[tilespmem:v19+s28+$0x0] =	vst.idx.add.f32.msk $0xffff, v41  }
0x1aa: {  	v30 =	vadd.f32 v49, v49;
	v46 =	vadd.f32 $1.000000000e+00, v42;
	[tilespmem:v58+s28+$0x0] =	vst.idx.add.f32.msk $0xffff, v25  }
0x1ab: {  	[tilespmem:v18+s28+$0x0] =	vst.idx.add.f32.msk $0xffff, v25;
	v43 =	vpop (erf)  }
0x1ac: {  	v30 =	vsub.f32 $1.000000000e+00, v30;
	v18 =	vld [tilespmem:s17+$0xFFFFFFF0];
	(erf) = vrcp.f32 v46;
	v44 =	vpop (erf)  }
0x1ad: {  	v58 =	vld [tilespmem:s9+$0xFFFFFFF0];
	v19 =	vpop (erf)  }
0x1ae: {  	[tilespmem:v53+s26+$0x0] =	vst.idx.add.f32.msk $0xffff, v30;
	v47 =	vpop (erf)  }
0x1af: {  	v56 =	vld [tilespmem:s17+$0xFFFFFFE0];
	v49 =	vpop (erf)  }
0x1b0: {  	[tilespmem:v55+s26+$0x0] =	vst.idx.add.f32.msk $0xffff, v30;
	v20 =	vadd.f32 v44, v44;
	v24 =	vadd.f32 $1.000000000e+00, v47;
	v52 =	vpop (erf)  }
0x1b1: {  	[tilespmem:v53+s28+$0x0] =	vst.idx.add.f32.msk $0xffff, v35;
	v53 =	vpop (erf)  }
0x1b2: {  	[tilespmem:v55+s28+$0x0] =	vst.idx.add.f32.msk $0xffff, v35;
	v20 =	vsub.f32 $1.000000000e+00, v20;
	(erf) = vrcp.f32 v24;
	v27 =	vadd.f32 v53, v53  }
0x1b3: {  	v55 =	vld [tilespmem:s9+$0x10]  }
0x1b4: {  	v19 =	vadd.f32 v19, v19;
	[tilespmem:v18+s26+$0x0] =	vst.idx.add.f32.msk $0xffff, v20;
	v27 =	vsub.f32 $1.000000000e+00, v27  }
0x1b5: {  	[tilespmem:v58+s26+$0x0] =	vst.idx.add.f32.msk $0xffff, v20;
	v57 =	vpop (erf)  }
0x1b6: {  	v19 =	vsub.f32 $1.000000000e+00, v19;
	v31 =	vadd.f32 v57, v57;
	[tilespmem:v48+s26+$0x0] =	vst.idx.add.f32.msk $0xffff, v27  }
0x1b7: {  	[tilespmem:v50+s26+$0x0] =	vst.idx.add.f32.msk $0xffff, v27  }
0x1b8: {  	v21 =	vadd.f32 v43, v43;
	v61 =	vsub.f32 $1.000000000e+00, v31;
	[tilespmem:v48+s28+$0x0] =	vst.idx.add.f32.msk $0xffff, v19  }
0x1b9: {  	v62 =	vadd.f32 v49, v49;
	[tilespmem:v50+s28+$0x0] =	vst.idx.add.f32.msk $0xffff, v19  }
0x1ba: {  	v19 =	vsub.f32 $1.000000000e+00, v21;
	[tilespmem:v56+s26+$0x0] =	vst.idx.add.f32.msk $0xffff, v61  }
0x1bb: {  	v21 =	vsub.f32 $1.000000000e+00, v62;
	v59 =	vpop (erf);
	[tilespmem:v51+s26+$0x0] =	vst.idx.add.f32.msk $0xffff, v61  }
0x1bc: {  	v33 =	vadd.f32 v59, v59;
	[tilespmem:v56+s28+$0x0] =	vst.idx.add.f32.msk $0xffff, v19  }
0x1bd: {  	[tilespmem:v18+s28+$0x0] =	vst.idx.add.f32.msk $0xffff, v21  }
0x1be: {  	v63 =	vadd.f32 v52, v52;
	[tilespmem:v51+s28+$0x0] =	vst.idx.add.f32.msk $0xffff, v19;
	v60 =	vsub.f32 $1.000000000e+00, v33  }
.Ltmp9:
0x1bf: {  	[tilespmem:v58+s28+$0x0] =	vst.idx.add.f32.msk $0xffff, v21;
	(pc) =	sbr.rel @p0 .LBB2_16-.Ltmp9, $4  }
0x1c0: {  	v19 =	vsub.f32 $1.000000000e+00, v63;
	[tilespmem:v54+s26+$0x0] =	vst.idx.add.f32.msk $0xffff, v60  }
0x1c1: {  	[tilespmem:v55+s26+$0x0] =	vst.idx.add.f32.msk $0xffff, v60  }
0x1c2: {  	[tilespmem:v54+s28+$0x0] =	vst.idx.add.f32.msk $0xffff, v19  }
0x1c3: {  	[tilespmem:v55+s28+$0x0] =	vst.idx.add.f32.msk $0xffff, v19  }
0x1c4: {  	s10 =	simm.s32 $0xA020  }
0x1c5: {  	v19 =	vld [tilespmem:s10+$0x10]  }
0x1c6: {  	v21 =	vld [tilespmem:s10+$0xFFFFFFF0]  }
0x1c7: {  	v23 =	vld [tilespmem:s10+$0x0]  }
0x1c8: {  	s9 =	simm.s32 $0xB420;
	v25 =	vld [tilespmem:s10+$0xFFFFFFE0]  }
0x1c9: {  	v20 =	vld [tilespmem:s9+$0x10]  }
0x1ca: {  	v22 =	vld [tilespmem:s9+$0xFFFFFFF0]  }
0x1cb: {  	v24 =	vld [tilespmem:s9+$0x0]  }
0x1cc: {  	v18 =	vld [tilespmem:s9+$0xFFFFFFE0]  }
0x1cd: {  	[tilespmem:v19+s29+$0x0] =	vst.idx.add.f32.msk $0xffff, v9  }
0x1ce: {  	[tilespmem:v21+s29+$0x0] =	vst.idx.add.f32.msk $0xffff, v9  }
0x1cf: {  	[tilespmem:v23+s29+$0x0] =	vst.idx.add.f32.msk $0xffff, v9  }
0x1d0: {  	[tilespmem:v25+s29+$0x0] =	vst.idx.add.f32.msk $0xffff, v9  }
0x1d1: {  	[tilespmem:v20+s29+$0x0] =	vst.idx.add.f32.msk $0xffff, v9  }
0x1d2: {  	[tilespmem:v22+s29+$0x0] =	vst.idx.add.f32.msk $0xffff, v9  }
0x1d3: {  	s11 =	simm.s32 $0xA060;
	s10 =	simm.s32 $0x0;
	[tilespmem:v24+s29+$0x0] =	vst.idx.add.f32.msk $0xffff, v9  }
.LBB2_14:
0x1d4: {  	v19 =	vld [tilespmem:s11+$0x10];
	s9 =	sadd.s32 $0x40, s9  }
0x1d5: {  	s10 =	sadd.s32 $0x4, s10;
	v20 =	vld [tilespmem:s9+$0x10]  }
0x1d6: {  	p0 =	slt.u32 s10, $0x134;
	v21 =	vld [tilespmem:s9+$0xFFFFFFE0]  }
0x1d7: {  	v22 =	vld [tilespmem:s11+$0xFFFFFFF0]  }
0x1d8: {  	v23 =	vld [tilespmem:s9+$0xFFFFFFF0]  }
0x1d9: {  	v24 =	vld [tilespmem:s11+$0x0]  }
0x1da: {  	v25 =	vld [tilespmem:s9+$0x0]  }
0x1db: {  	v26 =	vld [tilespmem:s11+$0xFFFFFFE0]  }
0x1dc: {  	[tilespmem:v19+s29+$0x0] =	vst.idx.add.f32.msk $0xffff, v9  }
0x1dd: {  	[tilespmem:v20+s29+$0x0] =	vst.idx.add.f32.msk $0xffff, v9  }
0x1de: {  	[tilespmem:v18+s29+$0x0] =	vst.idx.add.f32.msk $0xffff, v9;
	v18 =	vmov v21  }
.Ltmp10:
0x1df: {  	[tilespmem:v22+s29+$0x0] =	vst.idx.add.f32.msk $0xffff, v9;
	(pc) =	sbr.rel @p0 .LBB2_14-.Ltmp10, $4  }
0x1e0: {  	[tilespmem:v23+s29+$0x0] =	vst.idx.add.f32.msk $0xffff, v9  }
0x1e1: {  	[tilespmem:v24+s29+$0x0] =	vst.idx.add.f32.msk $0xffff, v9  }
0x1e2: {  	[tilespmem:v25+s29+$0x0] =	vst.idx.add.f32.msk $0xffff, v9  }
0x1e3: {  	s11 =	sadd.s32 $0x40, s11;
	[tilespmem:v26+s29+$0x0] =	vst.idx.add.f32.msk $0xffff, v9  }
.Ltmp11:
0x1e4: {  	_ = 	snop;
	(pc) =	sbr.rel .LBB2_16-.Ltmp11, $2  }
0x1e5: {  	_ =	sdelay $0x2  }
0x1e6: {  	[tilespmem:v18+s29+$0x0] =	vst.idx.add.f32.msk $0xffff, v9  }
.LBB2_18:
0x1e7: {  	_ =	sfence.sel $0x180000  }
0x1e8: {  	[bflag:$0x0] =	sbarrier.arrive $0xFFFF  }
0x1e9: {  	_ =	strace $0x90000047  }
0x1ea: {  	s0 =	stileid.u32;
	[bflag:$0x2] =	sbarrier.arrive $0xFFFF  }
0x1eb: {  	p0 =	sne.s32 s0, $0x0;
	s0 =	rddreg [dreg:$0x5]  }
0x1ec: {  	s0 =	sadd.s32 @!p0 $0x100000, s0  }
0x1ed: {  	[sflag:s0] =	ssyncadd.tile.s32 @!p0 $0x1;
	_ =	shalt  }
.Lfunc_end2:
_tile_overlayer_lowered:
.L_overlay_start_2:
0x1ee: {  	(tag) =	ssettag $0x2  }
0x1ef: {  	s0 =	rddreg [dreg:$0x0];
	s2 =	stileid.u32  }
0x1f0: {  	s1 =	rddreg [dreg:$0x1];
	p0 =	sne.s32 s2, $0x0  }
0x1f1: {  	s3 =	rddreg [dreg:$0x2];
	[bflag:$0x3] =	sbarrier.arrive $0xFFFF;
	s2 =	simm.s32 @!p0 $0x1C03  }
0x1f2: {  	[timem:s3], [sflag:s2] =	dma.local @!p0 [hbm:s0], s1  }
0x1f3: {  	s0 =	simm.s32 @!p0 $0x3  }
0x1f4: {  	_ =	swait.ge @!p0 [sflag:s0], s1  }
0x1f5: {  	s1 =	ssub.s32 @!p0 $0x0, s1;
	[sflag:s0] =	ssyncset.done @!p0 $0x0  }
0x1f6: {  	[sflag:s0] =	ssyncadd.s32 @!p0 s1  }
0x1f7: {  	[bflag:$0x3] =	sbarrier.arrive $0xFFFF  }
0x1f8: {  	_ =	shalt  }

</sc_bundles>
